<compile_context>
chip_gen: v7x
topology: tpu7x:2x2x1
jax: 0.10.2.dev20260603
libtpu: 0.0.44.dev20260713+nightly
codegen_flags: <defaults>
</compile_context>

<pallas_src>
import functools

import jax
import jax.numpy as jnp
from jax import lax
from jax.experimental import pallas as pl
from jax.experimental.pallas import tpu as pltpu
from jax.experimental.pallas import tpu_sc as plsc

L = 16
NW = 32
H = 1024
W = 1024
NB = 64
ROWS_PER_W = H // NW
CHUNK = 256
GROUPS = CHUNK // L
CPR = W // CHUNK
T = ROWS_PER_W * CPR
RING = 3
FULL = (T - RING) // RING * RING


def _sc_body(data_hbm, params_hbm, out_hbm,
             xi0, xi1, xi2, ob0, ob1, ob2, cb, pv,
             in0, in1, in2, os0, os1, os2):
    wid = lax.axis_index("s") * 2 + lax.axis_index("c")
    base_row = wid * ROWS_PER_W
    xis = (xi0, xi1, xi2)
    obs = (ob0, ob1, ob2)
    isems = (in0, in1, in2)
    osems = (os0, os1, os2)

    pltpu.sync_copy(params_hbm, pv)

    iota = lax.iota(jnp.int32, L)
    ones_v = jnp.full((L,), 1.0, jnp.float32)
    zeros_v = jnp.full((L,), 0.0, jnp.float32)

    def in_src(t):
        i = base_row + lax.shift_right_logical(t, 2)
        j0 = (t & (CPR - 1)) * CHUNK
        return data_hbm.at[0, i, pl.ds(j0, CHUNK)]

    def out_dst(t):
        i = base_row + lax.shift_right_logical(t, 2)
        j0 = (t & (CPR - 1)) * CHUNK
        return out_hbm.at[0, i, pl.ds(j0, CHUNK)]

    for q in range(RING):
        pltpu.async_copy(in_src(jnp.int32(q)), xis[q], isems[q])

    def zbody(m, _):
        ids = iota + m * L
        row = lax.shift_right_logical(ids, 6)
        col = ids & (NB - 1)
        for q in range(RING):
            plsc.store_scatter(obs[q], [row, col], zeros_v)
        return 0

    lax.fori_loop(0, CHUNK * NB // L, zbody, 0)

    def chunk(t, q, clear):
        boff = q * CHUNK
        xi, ob = xis[q], obs[q]

        def gbody(g, _):
            ids = iota + g * L
            if clear:
                cold = plsc.load_gather(cb, [ids + boff])
                plsc.store_scatter(ob, [ids, cold], zeros_v)
            xv = plsc.load_gather(xi, [ids])
            b0v = plsc.load_gather(pv, [jnp.full((L,), NB + 2, jnp.int32)])
            invv = plsc.load_gather(pv, [jnp.full((L,), NB + 1, jnp.int32)])
            tt = jnp.maximum((xv - b0v) * invv, 0.0)
            c = jnp.minimum(tt.astype(jnp.int32), NB - 1)
            e_c = plsc.load_gather(pv, [c])
            c = jnp.where((xv <= e_c) & (c > 0), c - 1, c)
            e_c1 = plsc.load_gather(pv, [c + 1])
            c = jnp.where((xv > e_c1) & (c < NB - 1), c + 1, c)
            plsc.store_scatter(cb, [ids + boff], c)
            plsc.store_scatter(ob, [ids, c], ones_v)
            return 0

        lax.fori_loop(0, GROUPS, gbody, 0)

    for q in range(RING):
        t = jnp.int32(q)
        pltpu.make_async_copy(in_src(t), xis[q], isems[q]).wait()
        chunk(t, q, clear=False)
        pltpu.async_copy(obs[q], out_dst(t), osems[q])
        pltpu.async_copy(in_src(t + RING), xis[q], isems[q])

    def pbody(p, _):
        for q in range(RING):
            t = RING * p + q
            pltpu.make_async_copy(obs[q], out_dst(t), osems[q]).wait()
            pltpu.make_async_copy(in_src(t), xis[q], isems[q]).wait()
            chunk(t, q, clear=True)
            pltpu.async_copy(obs[q], out_dst(t), osems[q])
            pltpu.async_copy(in_src(jnp.minimum(t + RING, T - 1)),
                             xis[q], isems[q])
        return 0

    lax.fori_loop(1, FULL // RING + 1, pbody, 0)

    for q in range(T - FULL - RING):
        t = jnp.int32(FULL + RING + q)
        pltpu.make_async_copy(obs[q], out_dst(t), osems[q]).wait()
        pltpu.make_async_copy(in_src(t), xis[q], isems[q]).wait()
        chunk(t, q, clear=True)
        pltpu.async_copy(obs[q], out_dst(t), osems[q])

    for q in range(RING):
        pltpu.make_async_copy(obs[q], out_dst(jnp.int32(0)), osems[q]).wait()
    for q in range(T - FULL - RING, RING):
        pltpu.make_async_copy(in_src(jnp.int32(0)), xis[q], isems[q]).wait()


def kernel(data, v_bins):
    v_bins = jnp.asarray(v_bins, jnp.float32)
    inv_step = 1.0 / (v_bins[1] - v_bins[0])
    params = jnp.concatenate(
        [v_bins, inv_step[None], v_bins[0][None],
         jnp.zeros((80 - NB - 3,), jnp.float32)])

    mesh = plsc.VectorSubcoreMesh(core_axis_name="c", subcore_axis_name="s")
    sc_kernel = functools.partial(
        pl.kernel,
        mesh=mesh,
        compiler_params=pltpu.CompilerParams(needs_layout_passes=False),
        out_type=jax.ShapeDtypeStruct((1, H, W, NB), jnp.float32),
        scratch_types=[
            pltpu.VMEM((CHUNK,), jnp.float32),
            pltpu.VMEM((CHUNK,), jnp.float32),
            pltpu.VMEM((CHUNK,), jnp.float32),
            pltpu.VMEM((CHUNK, NB), jnp.float32),
            pltpu.VMEM((CHUNK, NB), jnp.float32),
            pltpu.VMEM((CHUNK, NB), jnp.float32),
            pltpu.VMEM((RING * CHUNK,), jnp.int32),
            pltpu.VMEM((80,), jnp.float32),
            pltpu.SemaphoreType.DMA,
            pltpu.SemaphoreType.DMA,
            pltpu.SemaphoreType.DMA,
            pltpu.SemaphoreType.DMA,
            pltpu.SemaphoreType.DMA,
            pltpu.SemaphoreType.DMA,
        ],
    )(_sc_body)
    return sc_kernel(data, params)

# --- scband reference (transcript-rebuilt; emitter-appended) ---
"""Pipeline reference for scband-binned-one-hot-embedding-62723702390895 (READ-ONLY COPY).

The authoritative reference and input builder live on the scoring server;
editing this copy changes nothing except your own understanding.
"""

import jax, jax.numpy as jnp
import numpy as np

V_BINS = jnp.array([-3.0, -2.90625, -2.8125, -2.71875, -2.625, -2.53125, -2.4375, -2.34375, -2.25, -2.15625, -2.0625, -1.96875, -1.875, -1.78125, -1.6875, -1.59375, -1.5, -1.40625, -1.3125, -1.21875, -1.125, -1.03125, -0.9375, -0.84375, -0.75, -0.65625, -0.5625, -0.46875, -0.375, -0.28125, -0.1875, -0.09375, 0.0, 0.09375, 0.1875, 0.28125, 0.375, 0.46875, 0.5625, 0.65625, 0.75, 0.84375, 0.9375, 1.03125, 1.125, 1.21875, 1.3125, 1.40625, 1.5, 1.59375, 1.6875, 1.78125, 1.875, 1.96875, 2.0625, 2.15625, 2.25, 2.34375, 2.4375, 2.53125, 2.625, 2.71875, 2.8125, 2.90625, 3.0], dtype=jnp.float32)


def setup_inputs(seed: int = 0) -> dict:
    key = jax.random.key(seed)
    data = jax.random.normal(key, (1, 1024, 1024), dtype=jnp.float32)
    return {"data": data, "v_bins": V_BINS}


def reference(data, v_bins):
    # torch.bucketize(data, v_bins) with right=False corresponds to
    # jnp.searchsorted(v_bins, data, side='left')
    bin_indices = jnp.searchsorted(v_bins, data, side='left') - 1
    bin_indices = jnp.clip(bin_indices, 0, v_bins.shape[0] - 2)
    # scatter_(dim=-1, index=bin_indices, value=1.0) on zeros == one-hot
    p = jax.nn.one_hot(bin_indices, v_bins.shape[0] - 1, dtype=data.dtype)
    return p

if __name__ == "__main__":
    import jax
    _d = setup_inputs()
    print(jax.jit(kernel)(*tuple(_d.values())))

</pallas_src>

<mosaic_0001>
#map = affine_map<(d0, d1) -> (0, 0, 0)>
#map1 = affine_map<(d0, d1) -> (0)>
#map2 = affine_map<(d0, d1) -> (0, 0, 0, 0)>
module attributes {stable_mosaic.version = 14 : i64} {
  func.func @_sc_body(%arg0: i32, %arg1: i32, %arg2: memref<1x1024x1024xf32, #tpu.memory_space<hbm>>, %arg3: memref<80xf32, #tpu.memory_space<hbm>>, %arg4: memref<1x1024x1024x64xf32, #tpu.memory_space<hbm>>, %arg5: memref<256xf32, #tpu.memory_space<vmem>>, %arg6: memref<256xf32, #tpu.memory_space<vmem>>, %arg7: memref<256xf32, #tpu.memory_space<vmem>>, %arg8: memref<256x64xf32, #tpu.memory_space<vmem>>, %arg9: memref<256x64xf32, #tpu.memory_space<vmem>>, %arg10: memref<256x64xf32, #tpu.memory_space<vmem>>, %arg11: memref<768xi32, #tpu.memory_space<vmem>>, %arg12: memref<80xf32, #tpu.memory_space<vmem>>, %arg13: memref<!tpu.dma_semaphore, #tpu.memory_space<semaphore_mem>>, %arg14: memref<!tpu.dma_semaphore, #tpu.memory_space<semaphore_mem>>, %arg15: memref<!tpu.dma_semaphore, #tpu.memory_space<semaphore_mem>>, %arg16: memref<!tpu.dma_semaphore, #tpu.memory_space<semaphore_mem>>, %arg17: memref<!tpu.dma_semaphore, #tpu.memory_space<semaphore_mem>>, %arg18: memref<!tpu.dma_semaphore, #tpu.memory_space<semaphore_mem>>) attributes {dimension_semantics = [#tpu.dimension_semantics<core_parallel>, #tpu.dimension_semantics<subcore_parallel>], iteration_bounds = array<i64: 2, 16>, scalar_prefetch = 0 : i64, scratch_operands = 14 : i64, tpu.core_type = #tpu.core_type<sc_vector_subcore>, window_params = [{transform_indices = #map}, {transform_indices = #map1}, {transform_indices = #map2}]} {
    %mul3A = arith.constant 2 : i32
    %mul3A_0 = arith.muli %arg1, %mul3A : i32
    %add3A = arith.addi %mul3A_0, %arg0 : i32
    %mul3A_1 = arith.constant 32 : i32
    %mul3A_2 = arith.muli %add3A, %mul3A_1 : i32
    "tpu.region"() ({
      %run_scoped3A = tpu.sem_alloc : memref<!tpu.dma_semaphore, #tpu.memory_space<semaphore_mem>>
      tpu.enqueue_dma source(%arg3 : memref<80xf32, #tpu.memory_space<hbm>>) target(%arg12 : memref<80xf32, #tpu.memory_space<vmem>>) target_semaphore(%run_scoped3A : memref<!tpu.dma_semaphore, #tpu.memory_space<semaphore_mem>>)
      tpu.wait_dma2 semaphore(%run_scoped3A : memref<!tpu.dma_semaphore, #tpu.memory_space<semaphore_mem>>) src(%arg3 : memref<80xf32, #tpu.memory_space<hbm>>) dst(%arg12 : memref<80xf32, #tpu.memory_space<vmem>>)
      tpu.yield
    }) : () -> ()
    %iota3A = tpu.iota {dimensions = array<i32: 0>} : vector<16xi32>
    %broadcast_in_dim3A = arith.constant 1.000000e+00 : f32
    %broadcast_in_dim3A_3 = vector.broadcast %broadcast_in_dim3A : f32 to vector<16xf32>
    %broadcast_in_dim3A_4 = arith.constant 0.000000e+00 : f32
    %broadcast_in_dim3A_5 = vector.broadcast %broadcast_in_dim3A_4 : f32 to vector<16xf32>
    %shift_right_logical3A = arith.constant 0 : i32
    %shift_right_logical3A_6 = arith.constant 2 : i32
    %shift_right_logical3A_7 = arith.shrui %shift_right_logical3A, %shift_right_logical3A_6 : i32
    %add3A_8 = arith.addi %mul3A_2, %shift_right_logical3A_7 : i32
    %and3A = arith.constant 0 : i32
    %and3A_9 = arith.constant 3 : i32
    %and3A_10 = arith.andi %and3A, %and3A_9 : i32
    %mul3A_11 = arith.constant 256 : i32
    %mul3A_12 = arith.muli %and3A_10, %mul3A_11 : i32
    %dma_start3A = arith.constant 0 : i32
    %dma_start3A_13 = tpu.memref_slice %arg2[%dma_start3A, %add3A_8, %mul3A_12] : memref<1x1024x1024xf32, #tpu.memory_space<hbm>> -> memref<1x1x256xf32, #tpu.memory_space<hbm>>
    %dma_start3A_14 = tpu.memref_squeeze %dma_start3A_13 : memref<1x1x256xf32, #tpu.memory_space<hbm>> -> memref<256xf32, #tpu.memory_space<hbm>>
    %dma_start3A_15 = tpu.memref_slice %arg2[%dma_start3A, %add3A_8, %mul3A_12] : memref<1x1024x1024xf32, #tpu.memory_space<hbm>> -> memref<1x1x256xf32, #tpu.memory_space<hbm>>
    %dma_start3A_16 = tpu.memref_squeeze %dma_start3A_15 : memref<1x1x256xf32, #tpu.memory_space<hbm>> -> memref<256xf32, #tpu.memory_space<hbm>>
    tpu.enqueue_dma source(%dma_start3A_16 : memref<256xf32, #tpu.memory_space<hbm>>) target(%arg5 : memref<256xf32, #tpu.memory_space<vmem>>) target_semaphore(%arg13 : memref<!tpu.dma_semaphore, #tpu.memory_space<semaphore_mem>>)
    %shift_right_logical3A_17 = arith.constant 1 : i32
    %shift_right_logical3A_18 = arith.constant 2 : i32
    %shift_right_logical3A_19 = arith.shrui %shift_right_logical3A_17, %shift_right_logical3A_18 : i32
    %add3A_20 = arith.addi %mul3A_2, %shift_right_logical3A_19 : i32
    %and3A_21 = arith.constant 1 : i32
    %and3A_22 = arith.constant 3 : i32
    %and3A_23 = arith.andi %and3A_21, %and3A_22 : i32
    %mul3A_24 = arith.constant 256 : i32
    %mul3A_25 = arith.muli %and3A_23, %mul3A_24 : i32
    %dma_start3A_26 = arith.constant 0 : i32
    %dma_start3A_27 = tpu.memref_slice %arg2[%dma_start3A_26, %add3A_20, %mul3A_25] : memref<1x1024x1024xf32, #tpu.memory_space<hbm>> -> memref<1x1x256xf32, #tpu.memory_space<hbm>>
    %dma_start3A_28 = tpu.memref_squeeze %dma_start3A_27 : memref<1x1x256xf32, #tpu.memory_space<hbm>> -> memref<256xf32, #tpu.memory_space<hbm>>
    %dma_start3A_29 = tpu.memref_slice %arg2[%dma_start3A_26, %add3A_20, %mul3A_25] : memref<1x1024x1024xf32, #tpu.memory_space<hbm>> -> memref<1x1x256xf32, #tpu.memory_space<hbm>>
    %dma_start3A_30 = tpu.memref_squeeze %dma_start3A_29 : memref<1x1x256xf32, #tpu.memory_space<hbm>> -> memref<256xf32, #tpu.memory_space<hbm>>
    tpu.enqueue_dma source(%dma_start3A_30 : memref<256xf32, #tpu.memory_space<hbm>>) target(%arg6 : memref<256xf32, #tpu.memory_space<vmem>>) target_semaphore(%arg14 : memref<!tpu.dma_semaphore, #tpu.memory_space<semaphore_mem>>)
    %shift_right_logical3A_31 = arith.constant 2 : i32
    %shift_right_logical3A_32 = arith.constant 2 : i32
    %shift_right_logical3A_33 = arith.shrui %shift_right_logical3A_31, %shift_right_logical3A_32 : i32
    %add3A_34 = arith.addi %mul3A_2, %shift_right_logical3A_33 : i32
    %and3A_35 = arith.constant 2 : i32
    %and3A_36 = arith.constant 3 : i32
    %and3A_37 = arith.andi %and3A_35, %and3A_36 : i32
    %mul3A_38 = arith.constant 256 : i32
    %mul3A_39 = arith.muli %and3A_37, %mul3A_38 : i32
    %dma_start3A_40 = arith.constant 0 : i32
    %dma_start3A_41 = tpu.memref_slice %arg2[%dma_start3A_40, %add3A_34, %mul3A_39] : memref<1x1024x1024xf32, #tpu.memory_space<hbm>> -> memref<1x1x256xf32, #tpu.memory_space<hbm>>
    %dma_start3A_42 = tpu.memref_squeeze %dma_start3A_41 : memref<1x1x256xf32, #tpu.memory_space<hbm>> -> memref<256xf32, #tpu.memory_space<hbm>>
    %dma_start3A_43 = tpu.memref_slice %arg2[%dma_start3A_40, %add3A_34, %mul3A_39] : memref<1x1024x1024xf32, #tpu.memory_space<hbm>> -> memref<1x1x256xf32, #tpu.memory_space<hbm>>
    %dma_start3A_44 = tpu.memref_squeeze %dma_start3A_43 : memref<1x1x256xf32, #tpu.memory_space<hbm>> -> memref<256xf32, #tpu.memory_space<hbm>>
    tpu.enqueue_dma source(%dma_start3A_44 : memref<256xf32, #tpu.memory_space<hbm>>) target(%arg7 : memref<256xf32, #tpu.memory_space<vmem>>) target_semaphore(%arg15 : memref<!tpu.dma_semaphore, #tpu.memory_space<semaphore_mem>>)
    %scan3A = arith.constant 0 : i32
    %scan3A_45 = arith.constant 0 : i32
    %scan3A_46 = arith.constant 1024 : i32
    %scan3A_47 = arith.addi %scan3A_45, %scan3A_46 : i32
    %scan3A_48 = arith.constant 1 : i32
    %scan3A_49 = scf.for %scan3A_381 = %scan3A_45 to %scan3A_47 step %scan3A_48 iter_args(%scan3A_382 = %scan3A) -> (i32)  : i32 {
      %mul3A_383 = arith.constant 16 : i32
      %mul3A_384 = arith.muli %scan3A_381, %mul3A_383 : i32
      %add3A_385 = vector.broadcast %mul3A_384 : i32 to vector<16xi32>
      %add3A_386 = arith.addi %iota3A, %add3A_385 : vector<16xi32>
      %shift_right_logical3A_387 = arith.constant 6 : i32
      %shift_right_logical3A_388 = vector.broadcast %shift_right_logical3A_387 : i32 to vector<16xi32>
      %shift_right_logical3A_389 = arith.shrui %add3A_386, %shift_right_logical3A_388 : vector<16xi32>
      %and3A_390 = arith.constant 63 : i32
      %and3A_391 = vector.broadcast %and3A_390 : i32 to vector<16xi32>
      %and3A_392 = arith.andi %add3A_386, %and3A_391 : vector<16xi32>
      tpu.vector_store_idx %arg8[%shift_right_logical3A_389, %and3A_392], %broadcast_in_dim3A_5 : memref<256x64xf32, #tpu.memory_space<vmem>>[vector<16xi32>, vector<16xi32>], vector<16xf32>,
      tpu.vector_store_idx %arg9[%shift_right_logical3A_389, %and3A_392], %broadcast_in_dim3A_5 : memref<256x64xf32, #tpu.memory_space<vmem>>[vector<16xi32>, vector<16xi32>], vector<16xf32>,
      tpu.vector_store_idx %arg10[%shift_right_logical3A_389, %and3A_392], %broadcast_in_dim3A_5 : memref<256x64xf32, #tpu.memory_space<vmem>>[vector<16xi32>, vector<16xi32>], vector<16xf32>,
      %scan3A_393 = arith.constant 0 : i32
      scf.yield %scan3A_393 : i32
    }
    %scan3A_50 = arith.constant 1024 : i32
    %shift_right_logical3A_51 = arith.constant 0 : i32
    %shift_right_logical3A_52 = arith.constant 2 : i32
    %shift_right_logical3A_53 = arith.shrui %shift_right_logical3A_51, %shift_right_logical3A_52 : i32
    %add3A_54 = arith.addi %mul3A_2, %shift_right_logical3A_53 : i32
    %and3A_55 = arith.constant 0 : i32
    %and3A_56 = arith.constant 3 : i32
    %and3A_57 = arith.andi %and3A_55, %and3A_56 : i32
    %mul3A_58 = arith.constant 256 : i32
    %mul3A_59 = arith.muli %and3A_57, %mul3A_58 : i32
    %dma_wait3A = arith.constant 0 : i32
    %dma_wait3A_60 = tpu.memref_slice %arg2[%dma_wait3A, %add3A_54, %mul3A_59] : memref<1x1024x1024xf32, #tpu.memory_space<hbm>> -> memref<1x1x256xf32, #tpu.memory_space<hbm>>
    %dma_wait3A_61 = tpu.memref_squeeze %dma_wait3A_60 : memref<1x1x256xf32, #tpu.memory_space<hbm>> -> memref<256xf32, #tpu.memory_space<hbm>>
    %dma_wait3A_62 = tpu.memref_slice %arg2[%dma_wait3A, %add3A_54, %mul3A_59] : memref<1x1024x1024xf32, #tpu.memory_space<hbm>> -> memref<1x1x256xf32, #tpu.memory_space<hbm>>
    %dma_wait3A_63 = tpu.memref_squeeze %dma_wait3A_62 : memref<1x1x256xf32, #tpu.memory_space<hbm>> -> memref<256xf32, #tpu.memory_space<hbm>>
    tpu.wait_dma2 semaphore(%arg13 : memref<!tpu.dma_semaphore, #tpu.memory_space<semaphore_mem>>) src(%dma_wait3A_63 : memref<256xf32, #tpu.memory_space<hbm>>) dst(%arg5 : memref<256xf32, #tpu.memory_space<vmem>>)
    %scan3A_64 = arith.constant 0 : i32
    %scan3A_65 = arith.constant 0 : i32
    %scan3A_66 = arith.constant 16 : i32
    %scan3A_67 = arith.addi %scan3A_65, %scan3A_66 : i32
    %scan3A_68 = arith.constant 1 : i32
    %scan3A_69 = scf.for %scan3A_381 = %scan3A_65 to %scan3A_67 step %scan3A_68 iter_args(%scan3A_382 = %scan3A_64) -> (i32)  : i32 {
      %mul3A_383 = arith.constant 16 : i32
      %mul3A_384 = arith.muli %scan3A_381, %mul3A_383 : i32
      %add3A_385 = vector.broadcast %mul3A_384 : i32 to vector<16xi32>
      %add3A_386 = arith.addi %iota3A, %add3A_385 : vector<16xi32>
      %gather3A = tpu.vector_load_idx %arg5[%add3A_386] : memref<256xf32, #tpu.memory_space<vmem>>[vector<16xi32>], vector<16xf32>,
      %broadcast_in_dim3A_387 = arith.constant 66 : i32
      %broadcast_in_dim3A_388 = vector.broadcast %broadcast_in_dim3A_387 : i32 to vector<16xi32>
      %gather3A_389 = tpu.vector_load_idx %arg12[%broadcast_in_dim3A_388] : memref<80xf32, #tpu.memory_space<vmem>>[vector<16xi32>], vector<16xf32>,
      %broadcast_in_dim3A_390 = arith.constant 65 : i32
      %broadcast_in_dim3A_391 = vector.broadcast %broadcast_in_dim3A_390 : i32 to vector<16xi32>
      %gather3A_392 = tpu.vector_load_idx %arg12[%broadcast_in_dim3A_391] : memref<80xf32, #tpu.memory_space<vmem>>[vector<16xi32>], vector<16xf32>,
      %sub3A = arith.subf %gather3A, %gather3A_389 : vector<16xf32>
      %mul3A_393 = arith.mulf %sub3A, %gather3A_392 : vector<16xf32>
      %max3A = arith.constant 0.000000e+00 : f32
      %max3A_394 = vector.broadcast %max3A : f32 to vector<16xf32>
      %max3A_395 = arith.maximumf %mul3A_393, %max3A_394 : vector<16xf32>
      %convert_element_type3A = arith.fptosi %max3A_395 : vector<16xf32> to vector<16xi32>
      %min3A = arith.constant 63 : i32
      %min3A_396 = vector.broadcast %min3A : i32 to vector<16xi32>
      %min3A_397 = arith.minsi %convert_element_type3A, %min3A_396 : vector<16xi32>
      %gather3A_398 = tpu.vector_load_idx %arg12[%min3A_397] : memref<80xf32, #tpu.memory_space<vmem>>[vector<16xi32>], vector<16xf32>,
      %le3A = arith.cmpf ole, %gather3A, %gather3A_398 : vector<16xf32>
      %gt3A = arith.constant 0 : i32
      %gt3A_399 = vector.broadcast %gt3A : i32 to vector<16xi32>
      %gt3A_400 = arith.cmpi sgt, %min3A_397, %gt3A_399 : vector<16xi32>
      %and3A_401 = arith.andi %le3A, %gt3A_400 : vector<16xi1>
      %sub3A_402 = arith.constant 1 : i32
      %sub3A_403 = vector.broadcast %sub3A_402 : i32 to vector<16xi32>
      %sub3A_404 = arith.subi %min3A_397, %sub3A_403 : vector<16xi32>
      %select_n3A = arith.select %and3A_401, %sub3A_404, %min3A_397 : vector<16xi1>, vector<16xi32>
      %add3A_405 = arith.constant 1 : i32
      %add3A_406 = vector.broadcast %add3A_405 : i32 to vector<16xi32>
      %add3A_407 = arith.addi %select_n3A, %add3A_406 : vector<16xi32>
      %gather3A_408 = tpu.vector_load_idx %arg12[%add3A_407] : memref<80xf32, #tpu.memory_space<vmem>>[vector<16xi32>], vector<16xf32>,
      %gt3A_409 = arith.cmpf ogt, %gather3A, %gather3A_408 : vector<16xf32>
      %lt3A = arith.constant 63 : i32
      %lt3A_410 = vector.broadcast %lt3A : i32 to vector<16xi32>
      %lt3A_411 = arith.cmpi slt, %select_n3A, %lt3A_410 : vector<16xi32>
      %and3A_412 = arith.andi %gt3A_409, %lt3A_411 : vector<16xi1>
      %add3A_413 = arith.constant 1 : i32
      %add3A_414 = vector.broadcast %add3A_413 : i32 to vector<16xi32>
      %add3A_415 = arith.addi %select_n3A, %add3A_414 : vector<16xi32>
      %select_n3A_416 = arith.select %and3A_412, %add3A_415, %select_n3A : vector<16xi1>, vector<16xi32>
      %add3A_417 = arith.constant 0 : i32
      %add3A_418 = vector.broadcast %add3A_417 : i32 to vector<16xi32>
      %add3A_419 = arith.addi %add3A_386, %add3A_418 : vector<16xi32>
      tpu.vector_store_idx %arg11[%add3A_419], %select_n3A_416 : memref<768xi32, #tpu.memory_space<vmem>>[vector<16xi32>], vector<16xi32>,
      tpu.vector_store_idx %arg8[%add3A_386, %select_n3A_416], %broadcast_in_dim3A_3 : memref<256x64xf32, #tpu.memory_space<vmem>>[vector<16xi32>, vector<16xi32>], vector<16xf32>,
      %scan3A_420 = arith.constant 0 : i32
      scf.yield %scan3A_420 : i32
    }
    %scan3A_70 = arith.constant 16 : i32
    %shift_right_logical3A_71 = arith.constant 0 : i32
    %shift_right_logical3A_72 = arith.constant 2 : i32
    %shift_right_logical3A_73 = arith.shrui %shift_right_logical3A_71, %shift_right_logical3A_72 : i32
    %add3A_74 = arith.addi %mul3A_2, %shift_right_logical3A_73 : i32
    %and3A_75 = arith.constant 0 : i32
    %and3A_76 = arith.constant 3 : i32
    %and3A_77 = arith.andi %and3A_75, %and3A_76 : i32
    %mul3A_78 = arith.constant 256 : i32
    %mul3A_79 = arith.muli %and3A_77, %mul3A_78 : i32
    %dma_start3A_80 = arith.constant 0 : i32
    %dma_start3A_81 = arith.constant 0 : i32
    %dma_start3A_82 = tpu.memref_slice %arg4[%dma_start3A_80, %add3A_74, %mul3A_79, %dma_start3A_81] : memref<1x1024x1024x64xf32, #tpu.memory_space<hbm>> -> memref<1x1x256x64xf32, #tpu.memory_space<hbm>>
    %dma_start3A_83 = tpu.memref_squeeze %dma_start3A_82 : memref<1x1x256x64xf32, #tpu.memory_space<hbm>> -> memref<256x64xf32, #tpu.memory_space<hbm>>
    %dma_start3A_84 = arith.constant 0 : i32
    %dma_start3A_85 = tpu.memref_slice %arg4[%dma_start3A_80, %add3A_74, %mul3A_79, %dma_start3A_84] : memref<1x1024x1024x64xf32, #tpu.memory_space<hbm>> -> memref<1x1x256x64xf32, #tpu.memory_space<hbm>>
    %dma_start3A_86 = tpu.memref_squeeze %dma_start3A_85 : memref<1x1x256x64xf32, #tpu.memory_space<hbm>> -> memref<256x64xf32, #tpu.memory_space<hbm>>
    tpu.enqueue_dma source(%arg8 : memref<256x64xf32, #tpu.memory_space<vmem>>) target(%dma_start3A_86 : memref<256x64xf32, #tpu.memory_space<hbm>>) target_semaphore(%arg16 : memref<!tpu.dma_semaphore, #tpu.memory_space<semaphore_mem>>)
    %add3A_87 = arith.constant 0 : i32
    %add3A_88 = arith.constant 3 : i32
    %add3A_89 = arith.addi %add3A_87, %add3A_88 : i32
    %shift_right_logical3A_90 = arith.constant 2 : i32
    %shift_right_logical3A_91 = arith.shrui %add3A_89, %shift_right_logical3A_90 : i32
    %add3A_92 = arith.addi %mul3A_2, %shift_right_logical3A_91 : i32
    %and3A_93 = arith.constant 3 : i32
    %and3A_94 = arith.andi %add3A_89, %and3A_93 : i32
    %mul3A_95 = arith.constant 256 : i32
    %mul3A_96 = arith.muli %and3A_94, %mul3A_95 : i32
    %dma_start3A_97 = arith.constant 0 : i32
    %dma_start3A_98 = tpu.memref_slice %arg2[%dma_start3A_97, %add3A_92, %mul3A_96] : memref<1x1024x1024xf32, #tpu.memory_space<hbm>> -> memref<1x1x256xf32, #tpu.memory_space<hbm>>
    %dma_start3A_99 = tpu.memref_squeeze %dma_start3A_98 : memref<1x1x256xf32, #tpu.memory_space<hbm>> -> memref<256xf32, #tpu.memory_space<hbm>>
    %dma_start3A_100 = tpu.memref_slice %arg2[%dma_start3A_97, %add3A_92, %mul3A_96] : memref<1x1024x1024xf32, #tpu.memory_space<hbm>> -> memref<1x1x256xf32, #tpu.memory_space<hbm>>
    %dma_start3A_101 = tpu.memref_squeeze %dma_start3A_100 : memref<1x1x256xf32, #tpu.memory_space<hbm>> -> memref<256xf32, #tpu.memory_space<hbm>>
    tpu.enqueue_dma source(%dma_start3A_101 : memref<256xf32, #tpu.memory_space<hbm>>) target(%arg5 : memref<256xf32, #tpu.memory_space<vmem>>) target_semaphore(%arg13 : memref<!tpu.dma_semaphore, #tpu.memory_space<semaphore_mem>>)
    %shift_right_logical3A_102 = arith.constant 1 : i32
    %shift_right_logical3A_103 = arith.constant 2 : i32
    %shift_right_logical3A_104 = arith.shrui %shift_right_logical3A_102, %shift_right_logical3A_103 : i32
    %add3A_105 = arith.addi %mul3A_2, %shift_right_logical3A_104 : i32
    %and3A_106 = arith.constant 1 : i32
    %and3A_107 = arith.constant 3 : i32
    %and3A_108 = arith.andi %and3A_106, %and3A_107 : i32
    %mul3A_109 = arith.constant 256 : i32
    %mul3A_110 = arith.muli %and3A_108, %mul3A_109 : i32
    %dma_wait3A_111 = arith.constant 0 : i32
    %dma_wait3A_112 = tpu.memref_slice %arg2[%dma_wait3A_111, %add3A_105, %mul3A_110] : memref<1x1024x1024xf32, #tpu.memory_space<hbm>> -> memref<1x1x256xf32, #tpu.memory_space<hbm>>
    %dma_wait3A_113 = tpu.memref_squeeze %dma_wait3A_112 : memref<1x1x256xf32, #tpu.memory_space<hbm>> -> memref<256xf32, #tpu.memory_space<hbm>>
    %dma_wait3A_114 = tpu.memref_slice %arg2[%dma_wait3A_111, %add3A_105, %mul3A_110] : memref<1x1024x1024xf32, #tpu.memory_space<hbm>> -> memref<1x1x256xf32, #tpu.memory_space<hbm>>
    %dma_wait3A_115 = tpu.memref_squeeze %dma_wait3A_114 : memref<1x1x256xf32, #tpu.memory_space<hbm>> -> memref<256xf32, #tpu.memory_space<hbm>>
    tpu.wait_dma2 semaphore(%arg14 : memref<!tpu.dma_semaphore, #tpu.memory_space<semaphore_mem>>) src(%dma_wait3A_115 : memref<256xf32, #tpu.memory_space<hbm>>) dst(%arg6 : memref<256xf32, #tpu.memory_space<vmem>>)
    %scan3A_116 = arith.constant 0 : i32
    %scan3A_117 = arith.constant 0 : i32
    %scan3A_118 = arith.constant 16 : i32
    %scan3A_119 = arith.addi %scan3A_117, %scan3A_118 : i32
    %scan3A_120 = arith.constant 1 : i32
    %scan3A_121 = scf.for %scan3A_381 = %scan3A_117 to %scan3A_119 step %scan3A_120 iter_args(%scan3A_382 = %scan3A_116) -> (i32)  : i32 {
      %mul3A_383 = arith.constant 16 : i32
      %mul3A_384 = arith.muli %scan3A_381, %mul3A_383 : i32
      %add3A_385 = vector.broadcast %mul3A_384 : i32 to vector<16xi32>
      %add3A_386 = arith.addi %iota3A, %add3A_385 : vector<16xi32>
      %gather3A = tpu.vector_load_idx %arg6[%add3A_386] : memref<256xf32, #tpu.memory_space<vmem>>[vector<16xi32>], vector<16xf32>,
      %broadcast_in_dim3A_387 = arith.constant 66 : i32
      %broadcast_in_dim3A_388 = vector.broadcast %broadcast_in_dim3A_387 : i32 to vector<16xi32>
      %gather3A_389 = tpu.vector_load_idx %arg12[%broadcast_in_dim3A_388] : memref<80xf32, #tpu.memory_space<vmem>>[vector<16xi32>], vector<16xf32>,
      %broadcast_in_dim3A_390 = arith.constant 65 : i32
      %broadcast_in_dim3A_391 = vector.broadcast %broadcast_in_dim3A_390 : i32 to vector<16xi32>
      %gather3A_392 = tpu.vector_load_idx %arg12[%broadcast_in_dim3A_391] : memref<80xf32, #tpu.memory_space<vmem>>[vector<16xi32>], vector<16xf32>,
      %sub3A = arith.subf %gather3A, %gather3A_389 : vector<16xf32>
      %mul3A_393 = arith.mulf %sub3A, %gather3A_392 : vector<16xf32>
      %max3A = arith.constant 0.000000e+00 : f32
      %max3A_394 = vector.broadcast %max3A : f32 to vector<16xf32>
      %max3A_395 = arith.maximumf %mul3A_393, %max3A_394 : vector<16xf32>
      %convert_element_type3A = arith.fptosi %max3A_395 : vector<16xf32> to vector<16xi32>
      %min3A = arith.constant 63 : i32
      %min3A_396 = vector.broadcast %min3A : i32 to vector<16xi32>
      %min3A_397 = arith.minsi %convert_element_type3A, %min3A_396 : vector<16xi32>
      %gather3A_398 = tpu.vector_load_idx %arg12[%min3A_397] : memref<80xf32, #tpu.memory_space<vmem>>[vector<16xi32>], vector<16xf32>,
      %le3A = arith.cmpf ole, %gather3A, %gather3A_398 : vector<16xf32>
      %gt3A = arith.constant 0 : i32
      %gt3A_399 = vector.broadcast %gt3A : i32 to vector<16xi32>
      %gt3A_400 = arith.cmpi sgt, %min3A_397, %gt3A_399 : vector<16xi32>
      %and3A_401 = arith.andi %le3A, %gt3A_400 : vector<16xi1>
      %sub3A_402 = arith.constant 1 : i32
      %sub3A_403 = vector.broadcast %sub3A_402 : i32 to vector<16xi32>
      %sub3A_404 = arith.subi %min3A_397, %sub3A_403 : vector<16xi32>
      %select_n3A = arith.select %and3A_401, %sub3A_404, %min3A_397 : vector<16xi1>, vector<16xi32>
      %add3A_405 = arith.constant 1 : i32
      %add3A_406 = vector.broadcast %add3A_405 : i32 to vector<16xi32>
      %add3A_407 = arith.addi %select_n3A, %add3A_406 : vector<16xi32>
      %gather3A_408 = tpu.vector_load_idx %arg12[%add3A_407] : memref<80xf32, #tpu.memory_space<vmem>>[vector<16xi32>], vector<16xf32>,
      %gt3A_409 = arith.cmpf ogt, %gather3A, %gather3A_408 : vector<16xf32>
      %lt3A = arith.constant 63 : i32
      %lt3A_410 = vector.broadcast %lt3A : i32 to vector<16xi32>
      %lt3A_411 = arith.cmpi slt, %select_n3A, %lt3A_410 : vector<16xi32>
      %and3A_412 = arith.andi %gt3A_409, %lt3A_411 : vector<16xi1>
      %add3A_413 = arith.constant 1 : i32
      %add3A_414 = vector.broadcast %add3A_413 : i32 to vector<16xi32>
      %add3A_415 = arith.addi %select_n3A, %add3A_414 : vector<16xi32>
      %select_n3A_416 = arith.select %and3A_412, %add3A_415, %select_n3A : vector<16xi1>, vector<16xi32>
      %add3A_417 = arith.constant 256 : i32
      %add3A_418 = vector.broadcast %add3A_417 : i32 to vector<16xi32>
      %add3A_419 = arith.addi %add3A_386, %add3A_418 : vector<16xi32>
      tpu.vector_store_idx %arg11[%add3A_419], %select_n3A_416 : memref<768xi32, #tpu.memory_space<vmem>>[vector<16xi32>], vector<16xi32>,
      tpu.vector_store_idx %arg9[%add3A_386, %select_n3A_416], %broadcast_in_dim3A_3 : memref<256x64xf32, #tpu.memory_space<vmem>>[vector<16xi32>, vector<16xi32>], vector<16xf32>,
      %scan3A_420 = arith.constant 0 : i32
      scf.yield %scan3A_420 : i32
    }
    %scan3A_122 = arith.constant 16 : i32
    %shift_right_logical3A_123 = arith.constant 1 : i32
    %shift_right_logical3A_124 = arith.constant 2 : i32
    %shift_right_logical3A_125 = arith.shrui %shift_right_logical3A_123, %shift_right_logical3A_124 : i32
    %add3A_126 = arith.addi %mul3A_2, %shift_right_logical3A_125 : i32
    %and3A_127 = arith.constant 1 : i32
    %and3A_128 = arith.constant 3 : i32
    %and3A_129 = arith.andi %and3A_127, %and3A_128 : i32
    %mul3A_130 = arith.constant 256 : i32
    %mul3A_131 = arith.muli %and3A_129, %mul3A_130 : i32
    %dma_start3A_132 = arith.constant 0 : i32
    %dma_start3A_133 = arith.constant 0 : i32
    %dma_start3A_134 = tpu.memref_slice %arg4[%dma_start3A_132, %add3A_126, %mul3A_131, %dma_start3A_133] : memref<1x1024x1024x64xf32, #tpu.memory_space<hbm>> -> memref<1x1x256x64xf32, #tpu.memory_space<hbm>>
    %dma_start3A_135 = tpu.memref_squeeze %dma_start3A_134 : memref<1x1x256x64xf32, #tpu.memory_space<hbm>> -> memref<256x64xf32, #tpu.memory_space<hbm>>
    %dma_start3A_136 = arith.constant 0 : i32
    %dma_start3A_137 = tpu.memref_slice %arg4[%dma_start3A_132, %add3A_126, %mul3A_131, %dma_start3A_136] : memref<1x1024x1024x64xf32, #tpu.memory_space<hbm>> -> memref<1x1x256x64xf32, #tpu.memory_space<hbm>>
    %dma_start3A_138 = tpu.memref_squeeze %dma_start3A_137 : memref<1x1x256x64xf32, #tpu.memory_space<hbm>> -> memref<256x64xf32, #tpu.memory_space<hbm>>
    tpu.enqueue_dma source(%arg9 : memref<256x64xf32, #tpu.memory_space<vmem>>) target(%dma_start3A_138 : memref<256x64xf32, #tpu.memory_space<hbm>>) target_semaphore(%arg17 : memref<!tpu.dma_semaphore, #tpu.memory_space<semaphore_mem>>)
    %add3A_139 = arith.constant 1 : i32
    %add3A_140 = arith.constant 3 : i32
    %add3A_141 = arith.addi %add3A_139, %add3A_140 : i32
    %shift_right_logical3A_142 = arith.constant 2 : i32
    %shift_right_logical3A_143 = arith.shrui %add3A_141, %shift_right_logical3A_142 : i32
    %add3A_144 = arith.addi %mul3A_2, %shift_right_logical3A_143 : i32
    %and3A_145 = arith.constant 3 : i32
    %and3A_146 = arith.andi %add3A_141, %and3A_145 : i32
    %mul3A_147 = arith.constant 256 : i32
    %mul3A_148 = arith.muli %and3A_146, %mul3A_147 : i32
    %dma_start3A_149 = arith.constant 0 : i32
    %dma_start3A_150 = tpu.memref_slice %arg2[%dma_start3A_149, %add3A_144, %mul3A_148] : memref<1x1024x1024xf32, #tpu.memory_space<hbm>> -> memref<1x1x256xf32, #tpu.memory_space<hbm>>
    %dma_start3A_151 = tpu.memref_squeeze %dma_start3A_150 : memref<1x1x256xf32, #tpu.memory_space<hbm>> -> memref<256xf32, #tpu.memory_space<hbm>>
    %dma_start3A_152 = tpu.memref_slice %arg2[%dma_start3A_149, %add3A_144, %mul3A_148] : memref<1x1024x1024xf32, #tpu.memory_space<hbm>> -> memref<1x1x256xf32, #tpu.memory_space<hbm>>
    %dma_start3A_153 = tpu.memref_squeeze %dma_start3A_152 : memref<1x1x256xf32, #tpu.memory_space<hbm>> -> memref<256xf32, #tpu.memory_space<hbm>>
    tpu.enqueue_dma source(%dma_start3A_153 : memref<256xf32, #tpu.memory_space<hbm>>) target(%arg6 : memref<256xf32, #tpu.memory_space<vmem>>) target_semaphore(%arg14 : memref<!tpu.dma_semaphore, #tpu.memory_space<semaphore_mem>>)
    %shift_right_logical3A_154 = arith.constant 2 : i32
    %shift_right_logical3A_155 = arith.constant 2 : i32
    %shift_right_logical3A_156 = arith.shrui %shift_right_logical3A_154, %shift_right_logical3A_155 : i32
    %add3A_157 = arith.addi %mul3A_2, %shift_right_logical3A_156 : i32
    %and3A_158 = arith.constant 2 : i32
    %and3A_159 = arith.constant 3 : i32
    %and3A_160 = arith.andi %and3A_158, %and3A_159 : i32
    %mul3A_161 = arith.constant 256 : i32
    %mul3A_162 = arith.muli %and3A_160, %mul3A_161 : i32
    %dma_wait3A_163 = arith.constant 0 : i32
    %dma_wait3A_164 = tpu.memref_slice %arg2[%dma_wait3A_163, %add3A_157, %mul3A_162] : memref<1x1024x1024xf32, #tpu.memory_space<hbm>> -> memref<1x1x256xf32, #tpu.memory_space<hbm>>
    %dma_wait3A_165 = tpu.memref_squeeze %dma_wait3A_164 : memref<1x1x256xf32, #tpu.memory_space<hbm>> -> memref<256xf32, #tpu.memory_space<hbm>>
    %dma_wait3A_166 = tpu.memref_slice %arg2[%dma_wait3A_163, %add3A_157, %mul3A_162] : memref<1x1024x1024xf32, #tpu.memory_space<hbm>> -> memref<1x1x256xf32, #tpu.memory_space<hbm>>
    %dma_wait3A_167 = tpu.memref_squeeze %dma_wait3A_166 : memref<1x1x256xf32, #tpu.memory_space<hbm>> -> memref<256xf32, #tpu.memory_space<hbm>>
    tpu.wait_dma2 semaphore(%arg15 : memref<!tpu.dma_semaphore, #tpu.memory_space<semaphore_mem>>) src(%dma_wait3A_167 : memref<256xf32, #tpu.memory_space<hbm>>) dst(%arg7 : memref<256xf32, #tpu.memory_space<vmem>>)
    %scan3A_168 = arith.constant 0 : i32
    %scan3A_169 = arith.constant 0 : i32
    %scan3A_170 = arith.constant 16 : i32
    %scan3A_171 = arith.addi %scan3A_169, %scan3A_170 : i32
    %scan3A_172 = arith.constant 1 : i32
    %scan3A_173 = scf.for %scan3A_381 = %scan3A_169 to %scan3A_171 step %scan3A_172 iter_args(%scan3A_382 = %scan3A_168) -> (i32)  : i32 {
      %mul3A_383 = arith.constant 16 : i32
      %mul3A_384 = arith.muli %scan3A_381, %mul3A_383 : i32
      %add3A_385 = vector.broadcast %mul3A_384 : i32 to vector<16xi32>
      %add3A_386 = arith.addi %iota3A, %add3A_385 : vector<16xi32>
      %gather3A = tpu.vector_load_idx %arg7[%add3A_386] : memref<256xf32, #tpu.memory_space<vmem>>[vector<16xi32>], vector<16xf32>,
      %broadcast_in_dim3A_387 = arith.constant 66 : i32
      %broadcast_in_dim3A_388 = vector.broadcast %broadcast_in_dim3A_387 : i32 to vector<16xi32>
      %gather3A_389 = tpu.vector_load_idx %arg12[%broadcast_in_dim3A_388] : memref<80xf32, #tpu.memory_space<vmem>>[vector<16xi32>], vector<16xf32>,
      %broadcast_in_dim3A_390 = arith.constant 65 : i32
      %broadcast_in_dim3A_391 = vector.broadcast %broadcast_in_dim3A_390 : i32 to vector<16xi32>
      %gather3A_392 = tpu.vector_load_idx %arg12[%broadcast_in_dim3A_391] : memref<80xf32, #tpu.memory_space<vmem>>[vector<16xi32>], vector<16xf32>,
      %sub3A = arith.subf %gather3A, %gather3A_389 : vector<16xf32>
      %mul3A_393 = arith.mulf %sub3A, %gather3A_392 : vector<16xf32>
      %max3A = arith.constant 0.000000e+00 : f32
      %max3A_394 = vector.broadcast %max3A : f32 to vector<16xf32>
      %max3A_395 = arith.maximumf %mul3A_393, %max3A_394 : vector<16xf32>
      %convert_element_type3A = arith.fptosi %max3A_395 : vector<16xf32> to vector<16xi32>
      %min3A = arith.constant 63 : i32
      %min3A_396 = vector.broadcast %min3A : i32 to vector<16xi32>
      %min3A_397 = arith.minsi %convert_element_type3A, %min3A_396 : vector<16xi32>
      %gather3A_398 = tpu.vector_load_idx %arg12[%min3A_397] : memref<80xf32, #tpu.memory_space<vmem>>[vector<16xi32>], vector<16xf32>,
      %le3A = arith.cmpf ole, %gather3A, %gather3A_398 : vector<16xf32>
      %gt3A = arith.constant 0 : i32
      %gt3A_399 = vector.broadcast %gt3A : i32 to vector<16xi32>
      %gt3A_400 = arith.cmpi sgt, %min3A_397, %gt3A_399 : vector<16xi32>
      %and3A_401 = arith.andi %le3A, %gt3A_400 : vector<16xi1>
      %sub3A_402 = arith.constant 1 : i32
      %sub3A_403 = vector.broadcast %sub3A_402 : i32 to vector<16xi32>
      %sub3A_404 = arith.subi %min3A_397, %sub3A_403 : vector<16xi32>
      %select_n3A = arith.select %and3A_401, %sub3A_404, %min3A_397 : vector<16xi1>, vector<16xi32>
      %add3A_405 = arith.constant 1 : i32
      %add3A_406 = vector.broadcast %add3A_405 : i32 to vector<16xi32>
      %add3A_407 = arith.addi %select_n3A, %add3A_406 : vector<16xi32>
      %gather3A_408 = tpu.vector_load_idx %arg12[%add3A_407] : memref<80xf32, #tpu.memory_space<vmem>>[vector<16xi32>], vector<16xf32>,
      %gt3A_409 = arith.cmpf ogt, %gather3A, %gather3A_408 : vector<16xf32>
      %lt3A = arith.constant 63 : i32
      %lt3A_410 = vector.broadcast %lt3A : i32 to vector<16xi32>
      %lt3A_411 = arith.cmpi slt, %select_n3A, %lt3A_410 : vector<16xi32>
      %and3A_412 = arith.andi %gt3A_409, %lt3A_411 : vector<16xi1>
      %add3A_413 = arith.constant 1 : i32
      %add3A_414 = vector.broadcast %add3A_413 : i32 to vector<16xi32>
      %add3A_415 = arith.addi %select_n3A, %add3A_414 : vector<16xi32>
      %select_n3A_416 = arith.select %and3A_412, %add3A_415, %select_n3A : vector<16xi1>, vector<16xi32>
      %add3A_417 = arith.constant 512 : i32
      %add3A_418 = vector.broadcast %add3A_417 : i32 to vector<16xi32>
      %add3A_419 = arith.addi %add3A_386, %add3A_418 : vector<16xi32>
      tpu.vector_store_idx %arg11[%add3A_419], %select_n3A_416 : memref<768xi32, #tpu.memory_space<vmem>>[vector<16xi32>], vector<16xi32>,
      tpu.vector_store_idx %arg10[%add3A_386, %select_n3A_416], %broadcast_in_dim3A_3 : memref<256x64xf32, #tpu.memory_space<vmem>>[vector<16xi32>, vector<16xi32>], vector<16xf32>,
      %scan3A_420 = arith.constant 0 : i32
      scf.yield %scan3A_420 : i32
    }
    %scan3A_174 = arith.constant 16 : i32
    %shift_right_logical3A_175 = arith.constant 2 : i32
    %shift_right_logical3A_176 = arith.constant 2 : i32
    %shift_right_logical3A_177 = arith.shrui %shift_right_logical3A_175, %shift_right_logical3A_176 : i32
    %add3A_178 = arith.addi %mul3A_2, %shift_right_logical3A_177 : i32
    %and3A_179 = arith.constant 2 : i32
    %and3A_180 = arith.constant 3 : i32
    %and3A_181 = arith.andi %and3A_179, %and3A_180 : i32
    %mul3A_182 = arith.constant 256 : i32
    %mul3A_183 = arith.muli %and3A_181, %mul3A_182 : i32
    %dma_start3A_184 = arith.constant 0 : i32
    %dma_start3A_185 = arith.constant 0 : i32
    %dma_start3A_186 = tpu.memref_slice %arg4[%dma_start3A_184, %add3A_178, %mul3A_183, %dma_start3A_185] : memref<1x1024x1024x64xf32, #tpu.memory_space<hbm>> -> memref<1x1x256x64xf32, #tpu.memory_space<hbm>>
    %dma_start3A_187 = tpu.memref_squeeze %dma_start3A_186 : memref<1x1x256x64xf32, #tpu.memory_space<hbm>> -> memref<256x64xf32, #tpu.memory_space<hbm>>
    %dma_start3A_188 = arith.constant 0 : i32
    %dma_start3A_189 = tpu.memref_slice %arg4[%dma_start3A_184, %add3A_178, %mul3A_183, %dma_start3A_188] : memref<1x1024x1024x64xf32, #tpu.memory_space<hbm>> -> memref<1x1x256x64xf32, #tpu.memory_space<hbm>>
    %dma_start3A_190 = tpu.memref_squeeze %dma_start3A_189 : memref<1x1x256x64xf32, #tpu.memory_space<hbm>> -> memref<256x64xf32, #tpu.memory_space<hbm>>
    tpu.enqueue_dma source(%arg10 : memref<256x64xf32, #tpu.memory_space<vmem>>) target(%dma_start3A_190 : memref<256x64xf32, #tpu.memory_space<hbm>>) target_semaphore(%arg18 : memref<!tpu.dma_semaphore, #tpu.memory_space<semaphore_mem>>)
    %add3A_191 = arith.constant 2 : i32
    %add3A_192 = arith.constant 3 : i32
    %add3A_193 = arith.addi %add3A_191, %add3A_192 : i32
    %shift_right_logical3A_194 = arith.constant 2 : i32
    %shift_right_logical3A_195 = arith.shrui %add3A_193, %shift_right_logical3A_194 : i32
    %add3A_196 = arith.addi %mul3A_2, %shift_right_logical3A_195 : i32
    %and3A_197 = arith.constant 3 : i32
    %and3A_198 = arith.andi %add3A_193, %and3A_197 : i32
    %mul3A_199 = arith.constant 256 : i32
    %mul3A_200 = arith.muli %and3A_198, %mul3A_199 : i32
    %dma_start3A_201 = arith.constant 0 : i32
    %dma_start3A_202 = tpu.memref_slice %arg2[%dma_start3A_201, %add3A_196, %mul3A_200] : memref<1x1024x1024xf32, #tpu.memory_space<hbm>> -> memref<1x1x256xf32, #tpu.memory_space<hbm>>
    %dma_start3A_203 = tpu.memref_squeeze %dma_start3A_202 : memref<1x1x256xf32, #tpu.memory_space<hbm>> -> memref<256xf32, #tpu.memory_space<hbm>>
    %dma_start3A_204 = tpu.memref_slice %arg2[%dma_start3A_201, %add3A_196, %mul3A_200] : memref<1x1024x1024xf32, #tpu.memory_space<hbm>> -> memref<1x1x256xf32, #tpu.memory_space<hbm>>
    %dma_start3A_205 = tpu.memref_squeeze %dma_start3A_204 : memref<1x1x256xf32, #tpu.memory_space<hbm>> -> memref<256xf32, #tpu.memory_space<hbm>>
    tpu.enqueue_dma source(%dma_start3A_205 : memref<256xf32, #tpu.memory_space<hbm>>) target(%arg7 : memref<256xf32, #tpu.memory_space<vmem>>) target_semaphore(%arg15 : memref<!tpu.dma_semaphore, #tpu.memory_space<semaphore_mem>>)
    %scan3A_206 = arith.constant 0 : i32
    %scan3A_207 = arith.constant 1 : i32
    %scan3A_208 = arith.constant 41 : i32
    %scan3A_209 = arith.addi %scan3A_207, %scan3A_208 : i32
    %scan3A_210 = arith.constant 1 : i32
    %scan3A_211 = scf.for %scan3A_381 = %scan3A_207 to %scan3A_209 step %scan3A_210 iter_args(%scan3A_382 = %scan3A_206) -> (i32)  : i32 {
      %mul3A_383 = arith.constant 3 : i32
      %mul3A_384 = arith.muli %mul3A_383, %scan3A_381 : i32
      %add3A_385 = arith.constant 0 : i32
      %add3A_386 = arith.addi %mul3A_384, %add3A_385 : i32
      %shift_right_logical3A_387 = arith.constant 2 : i32
      %shift_right_logical3A_388 = arith.shrui %add3A_386, %shift_right_logical3A_387 : i32
      %add3A_389 = arith.addi %mul3A_2, %shift_right_logical3A_388 : i32
      %and3A_390 = arith.constant 3 : i32
      %and3A_391 = arith.andi %add3A_386, %and3A_390 : i32
      %mul3A_392 = arith.constant 256 : i32
      %mul3A_393 = arith.muli %and3A_391, %mul3A_392 : i32
      %dma_wait3A_394 = arith.constant 0 : i32
      %dma_wait3A_395 = arith.constant 0 : i32
      %dma_wait3A_396 = tpu.memref_slice %arg4[%dma_wait3A_394, %add3A_389, %mul3A_393, %dma_wait3A_395] : memref<1x1024x1024x64xf32, #tpu.memory_space<hbm>> -> memref<1x1x256x64xf32, #tpu.memory_space<hbm>>
      %dma_wait3A_397 = tpu.memref_squeeze %dma_wait3A_396 : memref<1x1x256x64xf32, #tpu.memory_space<hbm>> -> memref<256x64xf32, #tpu.memory_space<hbm>>
      %dma_wait3A_398 = arith.constant 0 : i32
      %dma_wait3A_399 = tpu.memref_slice %arg4[%dma_wait3A_394, %add3A_389, %mul3A_393, %dma_wait3A_398] : memref<1x1024x1024x64xf32, #tpu.memory_space<hbm>> -> memref<1x1x256x64xf32, #tpu.memory_space<hbm>>
      %dma_wait3A_400 = tpu.memref_squeeze %dma_wait3A_399 : memref<1x1x256x64xf32, #tpu.memory_space<hbm>> -> memref<256x64xf32, #tpu.memory_space<hbm>>
      tpu.wait_dma2 semaphore(%arg16 : memref<!tpu.dma_semaphore, #tpu.memory_space<semaphore_mem>>) src(%arg8 : memref<256x64xf32, #tpu.memory_space<vmem>>) dst(%dma_wait3A_400 : memref<256x64xf32, #tpu.memory_space<hbm>>)
      %shift_right_logical3A_401 = arith.constant 2 : i32
      %shift_right_logical3A_402 = arith.shrui %add3A_386, %shift_right_logical3A_401 : i32
      %add3A_403 = arith.addi %mul3A_2, %shift_right_logical3A_402 : i32
      %and3A_404 = arith.constant 3 : i32
      %and3A_405 = arith.andi %add3A_386, %and3A_404 : i32
      %mul3A_406 = arith.constant 256 : i32
      %mul3A_407 = arith.muli %and3A_405, %mul3A_406 : i32
      %dma_wait3A_408 = arith.constant 0 : i32
      %dma_wait3A_409 = tpu.memref_slice %arg2[%dma_wait3A_408, %add3A_403, %mul3A_407] : memref<1x1024x1024xf32, #tpu.memory_space<hbm>> -> memref<1x1x256xf32, #tpu.memory_space<hbm>>
      %dma_wait3A_410 = tpu.memref_squeeze %dma_wait3A_409 : memref<1x1x256xf32, #tpu.memory_space<hbm>> -> memref<256xf32, #tpu.memory_space<hbm>>
      %dma_wait3A_411 = tpu.memref_slice %arg2[%dma_wait3A_408, %add3A_403, %mul3A_407] : memref<1x1024x1024xf32, #tpu.memory_space<hbm>> -> memref<1x1x256xf32, #tpu.memory_space<hbm>>
      %dma_wait3A_412 = tpu.memref_squeeze %dma_wait3A_411 : memref<1x1x256xf32, #tpu.memory_space<hbm>> -> memref<256xf32, #tpu.memory_space<hbm>>
      tpu.wait_dma2 semaphore(%arg13 : memref<!tpu.dma_semaphore, #tpu.memory_space<semaphore_mem>>) src(%dma_wait3A_412 : memref<256xf32, #tpu.memory_space<hbm>>) dst(%arg5 : memref<256xf32, #tpu.memory_space<vmem>>)
      %scan3A_413 = arith.constant 0 : i32
      %scan3A_414 = arith.constant 0 : i32
      %scan3A_415 = arith.constant 16 : i32
      %scan3A_416 = arith.addi %scan3A_414, %scan3A_415 : i32
      %scan3A_417 = arith.constant 1 : i32
      %scan3A_418 = scf.for %scan3A_584 = %scan3A_414 to %scan3A_416 step %scan3A_417 iter_args(%scan3A_585 = %scan3A_413) -> (i32)  : i32 {
        %mul3A_586 = arith.constant 16 : i32
        %mul3A_587 = arith.muli %scan3A_584, %mul3A_586 : i32
        %add3A_588 = vector.broadcast %mul3A_587 : i32 to vector<16xi32>
        %add3A_589 = arith.addi %iota3A, %add3A_588 : vector<16xi32>
        %add3A_590 = arith.constant 0 : i32
        %add3A_591 = vector.broadcast %add3A_590 : i32 to vector<16xi32>
        %add3A_592 = arith.addi %add3A_589, %add3A_591 : vector<16xi32>
        %gather3A = tpu.vector_load_idx %arg11[%add3A_592] : memref<768xi32, #tpu.memory_space<vmem>>[vector<16xi32>], vector<16xi32>,
        tpu.vector_store_idx %arg8[%add3A_589, %gather3A], %broadcast_in_dim3A_5 : memref<256x64xf32, #tpu.memory_space<vmem>>[vector<16xi32>, vector<16xi32>], vector<16xf32>,
        %gather3A_593 = tpu.vector_load_idx %arg5[%add3A_589] : memref<256xf32, #tpu.memory_space<vmem>>[vector<16xi32>], vector<16xf32>,
        %broadcast_in_dim3A_594 = arith.constant 66 : i32
        %broadcast_in_dim3A_595 = vector.broadcast %broadcast_in_dim3A_594 : i32 to vector<16xi32>
        %gather3A_596 = tpu.vector_load_idx %arg12[%broadcast_in_dim3A_595] : memref<80xf32, #tpu.memory_space<vmem>>[vector<16xi32>], vector<16xf32>,
        %broadcast_in_dim3A_597 = arith.constant 65 : i32
        %broadcast_in_dim3A_598 = vector.broadcast %broadcast_in_dim3A_597 : i32 to vector<16xi32>
        %gather3A_599 = tpu.vector_load_idx %arg12[%broadcast_in_dim3A_598] : memref<80xf32, #tpu.memory_space<vmem>>[vector<16xi32>], vector<16xf32>,
        %sub3A = arith.subf %gather3A_593, %gather3A_596 : vector<16xf32>
        %mul3A_600 = arith.mulf %sub3A, %gather3A_599 : vector<16xf32>
        %max3A = arith.constant 0.000000e+00 : f32
        %max3A_601 = vector.broadcast %max3A : f32 to vector<16xf32>
        %max3A_602 = arith.maximumf %mul3A_600, %max3A_601 : vector<16xf32>
        %convert_element_type3A = arith.fptosi %max3A_602 : vector<16xf32> to vector<16xi32>
        %min3A_603 = arith.constant 63 : i32
        %min3A_604 = vector.broadcast %min3A_603 : i32 to vector<16xi32>
        %min3A_605 = arith.minsi %convert_element_type3A, %min3A_604 : vector<16xi32>
        %gather3A_606 = tpu.vector_load_idx %arg12[%min3A_605] : memref<80xf32, #tpu.memory_space<vmem>>[vector<16xi32>], vector<16xf32>,
        %le3A = arith.cmpf ole, %gather3A_593, %gather3A_606 : vector<16xf32>
        %gt3A = arith.constant 0 : i32
        %gt3A_607 = vector.broadcast %gt3A : i32 to vector<16xi32>
        %gt3A_608 = arith.cmpi sgt, %min3A_605, %gt3A_607 : vector<16xi32>
        %and3A_609 = arith.andi %le3A, %gt3A_608 : vector<16xi1>
        %sub3A_610 = arith.constant 1 : i32
        %sub3A_611 = vector.broadcast %sub3A_610 : i32 to vector<16xi32>
        %sub3A_612 = arith.subi %min3A_605, %sub3A_611 : vector<16xi32>
        %select_n3A = arith.select %and3A_609, %sub3A_612, %min3A_605 : vector<16xi1>, vector<16xi32>
        %add3A_613 = arith.constant 1 : i32
        %add3A_614 = vector.broadcast %add3A_613 : i32 to vector<16xi32>
        %add3A_615 = arith.addi %select_n3A, %add3A_614 : vector<16xi32>
        %gather3A_616 = tpu.vector_load_idx %arg12[%add3A_615] : memref<80xf32, #tpu.memory_space<vmem>>[vector<16xi32>], vector<16xf32>,
        %gt3A_617 = arith.cmpf ogt, %gather3A_593, %gather3A_616 : vector<16xf32>
        %lt3A = arith.constant 63 : i32
        %lt3A_618 = vector.broadcast %lt3A : i32 to vector<16xi32>
        %lt3A_619 = arith.cmpi slt, %select_n3A, %lt3A_618 : vector<16xi32>
        %and3A_620 = arith.andi %gt3A_617, %lt3A_619 : vector<16xi1>
        %add3A_621 = arith.constant 1 : i32
        %add3A_622 = vector.broadcast %add3A_621 : i32 to vector<16xi32>
        %add3A_623 = arith.addi %select_n3A, %add3A_622 : vector<16xi32>
        %select_n3A_624 = arith.select %and3A_620, %add3A_623, %select_n3A : vector<16xi1>, vector<16xi32>
        %add3A_625 = arith.constant 0 : i32
        %add3A_626 = vector.broadcast %add3A_625 : i32 to vector<16xi32>
        %add3A_627 = arith.addi %add3A_589, %add3A_626 : vector<16xi32>
        tpu.vector_store_idx %arg11[%add3A_627], %select_n3A_624 : memref<768xi32, #tpu.memory_space<vmem>>[vector<16xi32>], vector<16xi32>,
        tpu.vector_store_idx %arg8[%add3A_589, %select_n3A_624], %broadcast_in_dim3A_3 : memref<256x64xf32, #tpu.memory_space<vmem>>[vector<16xi32>, vector<16xi32>], vector<16xf32>,
        %scan3A_628 = arith.constant 0 : i32
        scf.yield %scan3A_628 : i32
      }
      %scan3A_419 = arith.constant 16 : i32
      %shift_right_logical3A_420 = arith.constant 2 : i32
      %shift_right_logical3A_421 = arith.shrui %add3A_386, %shift_right_logical3A_420 : i32
      %add3A_422 = arith.addi %mul3A_2, %shift_right_logical3A_421 : i32
      %and3A_423 = arith.constant 3 : i32
      %and3A_424 = arith.andi %add3A_386, %and3A_423 : i32
      %mul3A_425 = arith.constant 256 : i32
      %mul3A_426 = arith.muli %and3A_424, %mul3A_425 : i32
      %dma_start3A_427 = arith.constant 0 : i32
      %dma_start3A_428 = arith.constant 0 : i32
      %dma_start3A_429 = tpu.memref_slice %arg4[%dma_start3A_427, %add3A_422, %mul3A_426, %dma_start3A_428] : memref<1x1024x1024x64xf32, #tpu.memory_space<hbm>> -> memref<1x1x256x64xf32, #tpu.memory_space<hbm>>
      %dma_start3A_430 = tpu.memref_squeeze %dma_start3A_429 : memref<1x1x256x64xf32, #tpu.memory_space<hbm>> -> memref<256x64xf32, #tpu.memory_space<hbm>>
      %dma_start3A_431 = arith.constant 0 : i32
      %dma_start3A_432 = tpu.memref_slice %arg4[%dma_start3A_427, %add3A_422, %mul3A_426, %dma_start3A_431] : memref<1x1024x1024x64xf32, #tpu.memory_space<hbm>> -> memref<1x1x256x64xf32, #tpu.memory_space<hbm>>
      %dma_start3A_433 = tpu.memref_squeeze %dma_start3A_432 : memref<1x1x256x64xf32, #tpu.memory_space<hbm>> -> memref<256x64xf32, #tpu.memory_space<hbm>>
      tpu.enqueue_dma source(%arg8 : memref<256x64xf32, #tpu.memory_space<vmem>>) target(%dma_start3A_433 : memref<256x64xf32, #tpu.memory_space<hbm>>) target_semaphore(%arg16 : memref<!tpu.dma_semaphore, #tpu.memory_space<semaphore_mem>>)
      %add3A_434 = arith.constant 3 : i32
      %add3A_435 = arith.addi %add3A_386, %add3A_434 : i32
      %min3A = arith.constant 127 : i32
      %min3A_436 = arith.minsi %add3A_435, %min3A : i32
      %shift_right_logical3A_437 = arith.constant 2 : i32
      %shift_right_logical3A_438 = arith.shrui %min3A_436, %shift_right_logical3A_437 : i32
      %add3A_439 = arith.addi %mul3A_2, %shift_right_logical3A_438 : i32
      %and3A_440 = arith.constant 3 : i32
      %and3A_441 = arith.andi %min3A_436, %and3A_440 : i32
      %mul3A_442 = arith.constant 256 : i32
      %mul3A_443 = arith.muli %and3A_441, %mul3A_442 : i32
      %dma_start3A_444 = arith.constant 0 : i32
      %dma_start3A_445 = tpu.memref_slice %arg2[%dma_start3A_444, %add3A_439, %mul3A_443] : memref<1x1024x1024xf32, #tpu.memory_space<hbm>> -> memref<1x1x256xf32, #tpu.memory_space<hbm>>
      %dma_start3A_446 = tpu.memref_squeeze %dma_start3A_445 : memref<1x1x256xf32, #tpu.memory_space<hbm>> -> memref<256xf32, #tpu.memory_space<hbm>>
      %dma_start3A_447 = tpu.memref_slice %arg2[%dma_start3A_444, %add3A_439, %mul3A_443] : memref<1x1024x1024xf32, #tpu.memory_space<hbm>> -> memref<1x1x256xf32, #tpu.memory_space<hbm>>
      %dma_start3A_448 = tpu.memref_squeeze %dma_start3A_447 : memref<1x1x256xf32, #tpu.memory_space<hbm>> -> memref<256xf32, #tpu.memory_space<hbm>>
      tpu.enqueue_dma source(%dma_start3A_448 : memref<256xf32, #tpu.memory_space<hbm>>) target(%arg5 : memref<256xf32, #tpu.memory_space<vmem>>) target_semaphore(%arg13 : memref<!tpu.dma_semaphore, #tpu.memory_space<semaphore_mem>>)
      %mul3A_449 = arith.constant 3 : i32
      %mul3A_450 = arith.muli %mul3A_449, %scan3A_381 : i32
      %add3A_451 = arith.constant 1 : i32
      %add3A_452 = arith.addi %mul3A_450, %add3A_451 : i32
      %shift_right_logical3A_453 = arith.constant 2 : i32
      %shift_right_logical3A_454 = arith.shrui %add3A_452, %shift_right_logical3A_453 : i32
      %add3A_455 = arith.addi %mul3A_2, %shift_right_logical3A_454 : i32
      %and3A_456 = arith.constant 3 : i32
      %and3A_457 = arith.andi %add3A_452, %and3A_456 : i32
      %mul3A_458 = arith.constant 256 : i32
      %mul3A_459 = arith.muli %and3A_457, %mul3A_458 : i32
      %dma_wait3A_460 = arith.constant 0 : i32
      %dma_wait3A_461 = arith.constant 0 : i32
      %dma_wait3A_462 = tpu.memref_slice %arg4[%dma_wait3A_460, %add3A_455, %mul3A_459, %dma_wait3A_461] : memref<1x1024x1024x64xf32, #tpu.memory_space<hbm>> -> memref<1x1x256x64xf32, #tpu.memory_space<hbm>>
      %dma_wait3A_463 = tpu.memref_squeeze %dma_wait3A_462 : memref<1x1x256x64xf32, #tpu.memory_space<hbm>> -> memref<256x64xf32, #tpu.memory_space<hbm>>
      %dma_wait3A_464 = arith.constant 0 : i32
      %dma_wait3A_465 = tpu.memref_slice %arg4[%dma_wait3A_460, %add3A_455, %mul3A_459, %dma_wait3A_464] : memref<1x1024x1024x64xf32, #tpu.memory_space<hbm>> -> memref<1x1x256x64xf32, #tpu.memory_space<hbm>>
      %dma_wait3A_466 = tpu.memref_squeeze %dma_wait3A_465 : memref<1x1x256x64xf32, #tpu.memory_space<hbm>> -> memref<256x64xf32, #tpu.memory_space<hbm>>
      tpu.wait_dma2 semaphore(%arg17 : memref<!tpu.dma_semaphore, #tpu.memory_space<semaphore_mem>>) src(%arg9 : memref<256x64xf32, #tpu.memory_space<vmem>>) dst(%dma_wait3A_466 : memref<256x64xf32, #tpu.memory_space<hbm>>)
      %shift_right_logical3A_467 = arith.constant 2 : i32
      %shift_right_logical3A_468 = arith.shrui %add3A_452, %shift_right_logical3A_467 : i32
      %add3A_469 = arith.addi %mul3A_2, %shift_right_logical3A_468 : i32
      %and3A_470 = arith.constant 3 : i32
      %and3A_471 = arith.andi %add3A_452, %and3A_470 : i32
      %mul3A_472 = arith.constant 256 : i32
      %mul3A_473 = arith.muli %and3A_471, %mul3A_472 : i32
      %dma_wait3A_474 = arith.constant 0 : i32
      %dma_wait3A_475 = tpu.memref_slice %arg2[%dma_wait3A_474, %add3A_469, %mul3A_473] : memref<1x1024x1024xf32, #tpu.memory_space<hbm>> -> memref<1x1x256xf32, #tpu.memory_space<hbm>>
      %dma_wait3A_476 = tpu.memref_squeeze %dma_wait3A_475 : memref<1x1x256xf32, #tpu.memory_space<hbm>> -> memref<256xf32, #tpu.memory_space<hbm>>
      %dma_wait3A_477 = tpu.memref_slice %arg2[%dma_wait3A_474, %add3A_469, %mul3A_473] : memref<1x1024x1024xf32, #tpu.memory_space<hbm>> -> memref<1x1x256xf32, #tpu.memory_space<hbm>>
      %dma_wait3A_478 = tpu.memref_squeeze %dma_wait3A_477 : memref<1x1x256xf32, #tpu.memory_space<hbm>> -> memref<256xf32, #tpu.memory_space<hbm>>
      tpu.wait_dma2 semaphore(%arg14 : memref<!tpu.dma_semaphore, #tpu.memory_space<semaphore_mem>>) src(%dma_wait3A_478 : memref<256xf32, #tpu.memory_space<hbm>>) dst(%arg6 : memref<256xf32, #tpu.memory_space<vmem>>)
      %scan3A_479 = arith.constant 0 : i32
      %scan3A_480 = arith.constant 0 : i32
      %scan3A_481 = arith.constant 16 : i32
      %scan3A_482 = arith.addi %scan3A_480, %scan3A_481 : i32
      %scan3A_483 = arith.constant 1 : i32
      %scan3A_484 = scf.for %scan3A_584 = %scan3A_480 to %scan3A_482 step %scan3A_483 iter_args(%scan3A_585 = %scan3A_479) -> (i32)  : i32 {
        %mul3A_586 = arith.constant 16 : i32
        %mul3A_587 = arith.muli %scan3A_584, %mul3A_586 : i32
        %add3A_588 = vector.broadcast %mul3A_587 : i32 to vector<16xi32>
        %add3A_589 = arith.addi %iota3A, %add3A_588 : vector<16xi32>
        %add3A_590 = arith.constant 256 : i32
        %add3A_591 = vector.broadcast %add3A_590 : i32 to vector<16xi32>
        %add3A_592 = arith.addi %add3A_589, %add3A_591 : vector<16xi32>
        %gather3A = tpu.vector_load_idx %arg11[%add3A_592] : memref<768xi32, #tpu.memory_space<vmem>>[vector<16xi32>], vector<16xi32>,
        tpu.vector_store_idx %arg9[%add3A_589, %gather3A], %broadcast_in_dim3A_5 : memref<256x64xf32, #tpu.memory_space<vmem>>[vector<16xi32>, vector<16xi32>], vector<16xf32>,
        %gather3A_593 = tpu.vector_load_idx %arg6[%add3A_589] : memref<256xf32, #tpu.memory_space<vmem>>[vector<16xi32>], vector<16xf32>,
        %broadcast_in_dim3A_594 = arith.constant 66 : i32
        %broadcast_in_dim3A_595 = vector.broadcast %broadcast_in_dim3A_594 : i32 to vector<16xi32>
        %gather3A_596 = tpu.vector_load_idx %arg12[%broadcast_in_dim3A_595] : memref<80xf32, #tpu.memory_space<vmem>>[vector<16xi32>], vector<16xf32>,
        %broadcast_in_dim3A_597 = arith.constant 65 : i32
        %broadcast_in_dim3A_598 = vector.broadcast %broadcast_in_dim3A_597 : i32 to vector<16xi32>
        %gather3A_599 = tpu.vector_load_idx %arg12[%broadcast_in_dim3A_598] : memref<80xf32, #tpu.memory_space<vmem>>[vector<16xi32>], vector<16xf32>,
        %sub3A = arith.subf %gather3A_593, %gather3A_596 : vector<16xf32>
        %mul3A_600 = arith.mulf %sub3A, %gather3A_599 : vector<16xf32>
        %max3A = arith.constant 0.000000e+00 : f32
        %max3A_601 = vector.broadcast %max3A : f32 to vector<16xf32>
        %max3A_602 = arith.maximumf %mul3A_600, %max3A_601 : vector<16xf32>
        %convert_element_type3A = arith.fptosi %max3A_602 : vector<16xf32> to vector<16xi32>
        %min3A_603 = arith.constant 63 : i32
        %min3A_604 = vector.broadcast %min3A_603 : i32 to vector<16xi32>
        %min3A_605 = arith.minsi %convert_element_type3A, %min3A_604 : vector<16xi32>
        %gather3A_606 = tpu.vector_load_idx %arg12[%min3A_605] : memref<80xf32, #tpu.memory_space<vmem>>[vector<16xi32>], vector<16xf32>,
        %le3A = arith.cmpf ole, %gather3A_593, %gather3A_606 : vector<16xf32>
        %gt3A = arith.constant 0 : i32
        %gt3A_607 = vector.broadcast %gt3A : i32 to vector<16xi32>
        %gt3A_608 = arith.cmpi sgt, %min3A_605, %gt3A_607 : vector<16xi32>
        %and3A_609 = arith.andi %le3A, %gt3A_608 : vector<16xi1>
        %sub3A_610 = arith.constant 1 : i32
        %sub3A_611 = vector.broadcast %sub3A_610 : i32 to vector<16xi32>
        %sub3A_612 = arith.subi %min3A_605, %sub3A_611 : vector<16xi32>
        %select_n3A = arith.select %and3A_609, %sub3A_612, %min3A_605 : vector<16xi1>, vector<16xi32>
        %add3A_613 = arith.constant 1 : i32
        %add3A_614 = vector.broadcast %add3A_613 : i32 to vector<16xi32>
        %add3A_615 = arith.addi %select_n3A, %add3A_614 : vector<16xi32>
        %gather3A_616 = tpu.vector_load_idx %arg12[%add3A_615] : memref<80xf32, #tpu.memory_space<vmem>>[vector<16xi32>], vector<16xf32>,
        %gt3A_617 = arith.cmpf ogt, %gather3A_593, %gather3A_616 : vector<16xf32>
        %lt3A = arith.constant 63 : i32
        %lt3A_618 = vector.broadcast %lt3A : i32 to vector<16xi32>
        %lt3A_619 = arith.cmpi slt, %select_n3A, %lt3A_618 : vector<16xi32>
        %and3A_620 = arith.andi %gt3A_617, %lt3A_619 : vector<16xi1>
        %add3A_621 = arith.constant 1 : i32
        %add3A_622 = vector.broadcast %add3A_621 : i32 to vector<16xi32>
        %add3A_623 = arith.addi %select_n3A, %add3A_622 : vector<16xi32>
        %select_n3A_624 = arith.select %and3A_620, %add3A_623, %select_n3A : vector<16xi1>, vector<16xi32>
        %add3A_625 = arith.constant 256 : i32
        %add3A_626 = vector.broadcast %add3A_625 : i32 to vector<16xi32>
        %add3A_627 = arith.addi %add3A_589, %add3A_626 : vector<16xi32>
        tpu.vector_store_idx %arg11[%add3A_627], %select_n3A_624 : memref<768xi32, #tpu.memory_space<vmem>>[vector<16xi32>], vector<16xi32>,
        tpu.vector_store_idx %arg9[%add3A_589, %select_n3A_624], %broadcast_in_dim3A_3 : memref<256x64xf32, #tpu.memory_space<vmem>>[vector<16xi32>, vector<16xi32>], vector<16xf32>,
        %scan3A_628 = arith.constant 0 : i32
        scf.yield %scan3A_628 : i32
      }
      %scan3A_485 = arith.constant 16 : i32
      %shift_right_logical3A_486 = arith.constant 2 : i32
      %shift_right_logical3A_487 = arith.shrui %add3A_452, %shift_right_logical3A_486 : i32
      %add3A_488 = arith.addi %mul3A_2, %shift_right_logical3A_487 : i32
      %and3A_489 = arith.constant 3 : i32
      %and3A_490 = arith.andi %add3A_452, %and3A_489 : i32
      %mul3A_491 = arith.constant 256 : i32
      %mul3A_492 = arith.muli %and3A_490, %mul3A_491 : i32
      %dma_start3A_493 = arith.constant 0 : i32
      %dma_start3A_494 = arith.constant 0 : i32
      %dma_start3A_495 = tpu.memref_slice %arg4[%dma_start3A_493, %add3A_488, %mul3A_492, %dma_start3A_494] : memref<1x1024x1024x64xf32, #tpu.memory_space<hbm>> -> memref<1x1x256x64xf32, #tpu.memory_space<hbm>>
      %dma_start3A_496 = tpu.memref_squeeze %dma_start3A_495 : memref<1x1x256x64xf32, #tpu.memory_space<hbm>> -> memref<256x64xf32, #tpu.memory_space<hbm>>
      %dma_start3A_497 = arith.constant 0 : i32
      %dma_start3A_498 = tpu.memref_slice %arg4[%dma_start3A_493, %add3A_488, %mul3A_492, %dma_start3A_497] : memref<1x1024x1024x64xf32, #tpu.memory_space<hbm>> -> memref<1x1x256x64xf32, #tpu.memory_space<hbm>>
      %dma_start3A_499 = tpu.memref_squeeze %dma_start3A_498 : memref<1x1x256x64xf32, #tpu.memory_space<hbm>> -> memref<256x64xf32, #tpu.memory_space<hbm>>
      tpu.enqueue_dma source(%arg9 : memref<256x64xf32, #tpu.memory_space<vmem>>) target(%dma_start3A_499 : memref<256x64xf32, #tpu.memory_space<hbm>>) target_semaphore(%arg17 : memref<!tpu.dma_semaphore, #tpu.memory_space<semaphore_mem>>)
      %add3A_500 = arith.constant 3 : i32
      %add3A_501 = arith.addi %add3A_452, %add3A_500 : i32
      %min3A_502 = arith.constant 127 : i32
      %min3A_503 = arith.minsi %add3A_501, %min3A_502 : i32
      %shift_right_logical3A_504 = arith.constant 2 : i32
      %shift_right_logical3A_505 = arith.shrui %min3A_503, %shift_right_logical3A_504 : i32
      %add3A_506 = arith.addi %mul3A_2, %shift_right_logical3A_505 : i32
      %and3A_507 = arith.constant 3 : i32
      %and3A_508 = arith.andi %min3A_503, %and3A_507 : i32
      %mul3A_509 = arith.constant 256 : i32
      %mul3A_510 = arith.muli %and3A_508, %mul3A_509 : i32
      %dma_start3A_511 = arith.constant 0 : i32
      %dma_start3A_512 = tpu.memref_slice %arg2[%dma_start3A_511, %add3A_506, %mul3A_510] : memref<1x1024x1024xf32, #tpu.memory_space<hbm>> -> memref<1x1x256xf32, #tpu.memory_space<hbm>>
      %dma_start3A_513 = tpu.memref_squeeze %dma_start3A_512 : memref<1x1x256xf32, #tpu.memory_space<hbm>> -> memref<256xf32, #tpu.memory_space<hbm>>
      %dma_start3A_514 = tpu.memref_slice %arg2[%dma_start3A_511, %add3A_506, %mul3A_510] : memref<1x1024x1024xf32, #tpu.memory_space<hbm>> -> memref<1x1x256xf32, #tpu.memory_space<hbm>>
      %dma_start3A_515 = tpu.memref_squeeze %dma_start3A_514 : memref<1x1x256xf32, #tpu.memory_space<hbm>> -> memref<256xf32, #tpu.memory_space<hbm>>
      tpu.enqueue_dma source(%dma_start3A_515 : memref<256xf32, #tpu.memory_space<hbm>>) target(%arg6 : memref<256xf32, #tpu.memory_space<vmem>>) target_semaphore(%arg14 : memref<!tpu.dma_semaphore, #tpu.memory_space<semaphore_mem>>)
      %mul3A_516 = arith.constant 3 : i32
      %mul3A_517 = arith.muli %mul3A_516, %scan3A_381 : i32
      %add3A_518 = arith.constant 2 : i32
      %add3A_519 = arith.addi %mul3A_517, %add3A_518 : i32
      %shift_right_logical3A_520 = arith.constant 2 : i32
      %shift_right_logical3A_521 = arith.shrui %add3A_519, %shift_right_logical3A_520 : i32
      %add3A_522 = arith.addi %mul3A_2, %shift_right_logical3A_521 : i32
      %and3A_523 = arith.constant 3 : i32
      %and3A_524 = arith.andi %add3A_519, %and3A_523 : i32
      %mul3A_525 = arith.constant 256 : i32
      %mul3A_526 = arith.muli %and3A_524, %mul3A_525 : i32
      %dma_wait3A_527 = arith.constant 0 : i32
      %dma_wait3A_528 = arith.constant 0 : i32
      %dma_wait3A_529 = tpu.memref_slice %arg4[%dma_wait3A_527, %add3A_522, %mul3A_526, %dma_wait3A_528] : memref<1x1024x1024x64xf32, #tpu.memory_space<hbm>> -> memref<1x1x256x64xf32, #tpu.memory_space<hbm>>
      %dma_wait3A_530 = tpu.memref_squeeze %dma_wait3A_529 : memref<1x1x256x64xf32, #tpu.memory_space<hbm>> -> memref<256x64xf32, #tpu.memory_space<hbm>>
      %dma_wait3A_531 = arith.constant 0 : i32
      %dma_wait3A_532 = tpu.memref_slice %arg4[%dma_wait3A_527, %add3A_522, %mul3A_526, %dma_wait3A_531] : memref<1x1024x1024x64xf32, #tpu.memory_space<hbm>> -> memref<1x1x256x64xf32, #tpu.memory_space<hbm>>
      %dma_wait3A_533 = tpu.memref_squeeze %dma_wait3A_532 : memref<1x1x256x64xf32, #tpu.memory_space<hbm>> -> memref<256x64xf32, #tpu.memory_space<hbm>>
      tpu.wait_dma2 semaphore(%arg18 : memref<!tpu.dma_semaphore, #tpu.memory_space<semaphore_mem>>) src(%arg10 : memref<256x64xf32, #tpu.memory_space<vmem>>) dst(%dma_wait3A_533 : memref<256x64xf32, #tpu.memory_space<hbm>>)
      %shift_right_logical3A_534 = arith.constant 2 : i32
      %shift_right_logical3A_535 = arith.shrui %add3A_519, %shift_right_logical3A_534 : i32
      %add3A_536 = arith.addi %mul3A_2, %shift_right_logical3A_535 : i32
      %and3A_537 = arith.constant 3 : i32
      %and3A_538 = arith.andi %add3A_519, %and3A_537 : i32
      %mul3A_539 = arith.constant 256 : i32
      %mul3A_540 = arith.muli %and3A_538, %mul3A_539 : i32
      %dma_wait3A_541 = arith.constant 0 : i32
      %dma_wait3A_542 = tpu.memref_slice %arg2[%dma_wait3A_541, %add3A_536, %mul3A_540] : memref<1x1024x1024xf32, #tpu.memory_space<hbm>> -> memref<1x1x256xf32, #tpu.memory_space<hbm>>
      %dma_wait3A_543 = tpu.memref_squeeze %dma_wait3A_542 : memref<1x1x256xf32, #tpu.memory_space<hbm>> -> memref<256xf32, #tpu.memory_space<hbm>>
      %dma_wait3A_544 = tpu.memref_slice %arg2[%dma_wait3A_541, %add3A_536, %mul3A_540] : memref<1x1024x1024xf32, #tpu.memory_space<hbm>> -> memref<1x1x256xf32, #tpu.memory_space<hbm>>
      %dma_wait3A_545 = tpu.memref_squeeze %dma_wait3A_544 : memref<1x1x256xf32, #tpu.memory_space<hbm>> -> memref<256xf32, #tpu.memory_space<hbm>>
      tpu.wait_dma2 semaphore(%arg15 : memref<!tpu.dma_semaphore, #tpu.memory_space<semaphore_mem>>) src(%dma_wait3A_545 : memref<256xf32, #tpu.memory_space<hbm>>) dst(%arg7 : memref<256xf32, #tpu.memory_space<vmem>>)
      %scan3A_546 = arith.constant 0 : i32
      %scan3A_547 = arith.constant 0 : i32
      %scan3A_548 = arith.constant 16 : i32
      %scan3A_549 = arith.addi %scan3A_547, %scan3A_548 : i32
      %scan3A_550 = arith.constant 1 : i32
      %scan3A_551 = scf.for %scan3A_584 = %scan3A_547 to %scan3A_549 step %scan3A_550 iter_args(%scan3A_585 = %scan3A_546) -> (i32)  : i32 {
        %mul3A_586 = arith.constant 16 : i32
        %mul3A_587 = arith.muli %scan3A_584, %mul3A_586 : i32
        %add3A_588 = vector.broadcast %mul3A_587 : i32 to vector<16xi32>
        %add3A_589 = arith.addi %iota3A, %add3A_588 : vector<16xi32>
        %add3A_590 = arith.constant 512 : i32
        %add3A_591 = vector.broadcast %add3A_590 : i32 to vector<16xi32>
        %add3A_592 = arith.addi %add3A_589, %add3A_591 : vector<16xi32>
        %gather3A = tpu.vector_load_idx %arg11[%add3A_592] : memref<768xi32, #tpu.memory_space<vmem>>[vector<16xi32>], vector<16xi32>,
        tpu.vector_store_idx %arg10[%add3A_589, %gather3A], %broadcast_in_dim3A_5 : memref<256x64xf32, #tpu.memory_space<vmem>>[vector<16xi32>, vector<16xi32>], vector<16xf32>,
        %gather3A_593 = tpu.vector_load_idx %arg7[%add3A_589] : memref<256xf32, #tpu.memory_space<vmem>>[vector<16xi32>], vector<16xf32>,
        %broadcast_in_dim3A_594 = arith.constant 66 : i32
        %broadcast_in_dim3A_595 = vector.broadcast %broadcast_in_dim3A_594 : i32 to vector<16xi32>
        %gather3A_596 = tpu.vector_load_idx %arg12[%broadcast_in_dim3A_595] : memref<80xf32, #tpu.memory_space<vmem>>[vector<16xi32>], vector<16xf32>,
        %broadcast_in_dim3A_597 = arith.constant 65 : i32
        %broadcast_in_dim3A_598 = vector.broadcast %broadcast_in_dim3A_597 : i32 to vector<16xi32>
        %gather3A_599 = tpu.vector_load_idx %arg12[%broadcast_in_dim3A_598] : memref<80xf32, #tpu.memory_space<vmem>>[vector<16xi32>], vector<16xf32>,
        %sub3A = arith.subf %gather3A_593, %gather3A_596 : vector<16xf32>
        %mul3A_600 = arith.mulf %sub3A, %gather3A_599 : vector<16xf32>
        %max3A = arith.constant 0.000000e+00 : f32
        %max3A_601 = vector.broadcast %max3A : f32 to vector<16xf32>
        %max3A_602 = arith.maximumf %mul3A_600, %max3A_601 : vector<16xf32>
        %convert_element_type3A = arith.fptosi %max3A_602 : vector<16xf32> to vector<16xi32>
        %min3A_603 = arith.constant 63 : i32
        %min3A_604 = vector.broadcast %min3A_603 : i32 to vector<16xi32>
        %min3A_605 = arith.minsi %convert_element_type3A, %min3A_604 : vector<16xi32>
        %gather3A_606 = tpu.vector_load_idx %arg12[%min3A_605] : memref<80xf32, #tpu.memory_space<vmem>>[vector<16xi32>], vector<16xf32>,
        %le3A = arith.cmpf ole, %gather3A_593, %gather3A_606 : vector<16xf32>
        %gt3A = arith.constant 0 : i32
        %gt3A_607 = vector.broadcast %gt3A : i32 to vector<16xi32>
        %gt3A_608 = arith.cmpi sgt, %min3A_605, %gt3A_607 : vector<16xi32>
        %and3A_609 = arith.andi %le3A, %gt3A_608 : vector<16xi1>
        %sub3A_610 = arith.constant 1 : i32
        %sub3A_611 = vector.broadcast %sub3A_610 : i32 to vector<16xi32>
        %sub3A_612 = arith.subi %min3A_605, %sub3A_611 : vector<16xi32>
        %select_n3A = arith.select %and3A_609, %sub3A_612, %min3A_605 : vector<16xi1>, vector<16xi32>
        %add3A_613 = arith.constant 1 : i32
        %add3A_614 = vector.broadcast %add3A_613 : i32 to vector<16xi32>
        %add3A_615 = arith.addi %select_n3A, %add3A_614 : vector<16xi32>
        %gather3A_616 = tpu.vector_load_idx %arg12[%add3A_615] : memref<80xf32, #tpu.memory_space<vmem>>[vector<16xi32>], vector<16xf32>,
        %gt3A_617 = arith.cmpf ogt, %gather3A_593, %gather3A_616 : vector<16xf32>
        %lt3A = arith.constant 63 : i32
        %lt3A_618 = vector.broadcast %lt3A : i32 to vector<16xi32>
        %lt3A_619 = arith.cmpi slt, %select_n3A, %lt3A_618 : vector<16xi32>
        %and3A_620 = arith.andi %gt3A_617, %lt3A_619 : vector<16xi1>
        %add3A_621 = arith.constant 1 : i32
        %add3A_622 = vector.broadcast %add3A_621 : i32 to vector<16xi32>
        %add3A_623 = arith.addi %select_n3A, %add3A_622 : vector<16xi32>
        %select_n3A_624 = arith.select %and3A_620, %add3A_623, %select_n3A : vector<16xi1>, vector<16xi32>
        %add3A_625 = arith.constant 512 : i32
        %add3A_626 = vector.broadcast %add3A_625 : i32 to vector<16xi32>
        %add3A_627 = arith.addi %add3A_589, %add3A_626 : vector<16xi32>
        tpu.vector_store_idx %arg11[%add3A_627], %select_n3A_624 : memref<768xi32, #tpu.memory_space<vmem>>[vector<16xi32>], vector<16xi32>,
        tpu.vector_store_idx %arg10[%add3A_589, %select_n3A_624], %broadcast_in_dim3A_3 : memref<256x64xf32, #tpu.memory_space<vmem>>[vector<16xi32>, vector<16xi32>], vector<16xf32>,
        %scan3A_628 = arith.constant 0 : i32
        scf.yield %scan3A_628 : i32
      }
      %scan3A_552 = arith.constant 16 : i32
      %shift_right_logical3A_553 = arith.constant 2 : i32
      %shift_right_logical3A_554 = arith.shrui %add3A_519, %shift_right_logical3A_553 : i32
      %add3A_555 = arith.addi %mul3A_2, %shift_right_logical3A_554 : i32
      %and3A_556 = arith.constant 3 : i32
      %and3A_557 = arith.andi %add3A_519, %and3A_556 : i32
      %mul3A_558 = arith.constant 256 : i32
      %mul3A_559 = arith.muli %and3A_557, %mul3A_558 : i32
      %dma_start3A_560 = arith.constant 0 : i32
      %dma_start3A_561 = arith.constant 0 : i32
      %dma_start3A_562 = tpu.memref_slice %arg4[%dma_start3A_560, %add3A_555, %mul3A_559, %dma_start3A_561] : memref<1x1024x1024x64xf32, #tpu.memory_space<hbm>> -> memref<1x1x256x64xf32, #tpu.memory_space<hbm>>
      %dma_start3A_563 = tpu.memref_squeeze %dma_start3A_562 : memref<1x1x256x64xf32, #tpu.memory_space<hbm>> -> memref<256x64xf32, #tpu.memory_space<hbm>>
      %dma_start3A_564 = arith.constant 0 : i32
      %dma_start3A_565 = tpu.memref_slice %arg4[%dma_start3A_560, %add3A_555, %mul3A_559, %dma_start3A_564] : memref<1x1024x1024x64xf32, #tpu.memory_space<hbm>> -> memref<1x1x256x64xf32, #tpu.memory_space<hbm>>
      %dma_start3A_566 = tpu.memref_squeeze %dma_start3A_565 : memref<1x1x256x64xf32, #tpu.memory_space<hbm>> -> memref<256x64xf32, #tpu.memory_space<hbm>>
      tpu.enqueue_dma source(%arg10 : memref<256x64xf32, #tpu.memory_space<vmem>>) target(%dma_start3A_566 : memref<256x64xf32, #tpu.memory_space<hbm>>) target_semaphore(%arg18 : memref<!tpu.dma_semaphore, #tpu.memory_space<semaphore_mem>>)
      %add3A_567 = arith.constant 3 : i32
      %add3A_568 = arith.addi %add3A_519, %add3A_567 : i32
      %min3A_569 = arith.constant 127 : i32
      %min3A_570 = arith.minsi %add3A_568, %min3A_569 : i32
      %shift_right_logical3A_571 = arith.constant 2 : i32
      %shift_right_logical3A_572 = arith.shrui %min3A_570, %shift_right_logical3A_571 : i32
      %add3A_573 = arith.addi %mul3A_2, %shift_right_logical3A_572 : i32
      %and3A_574 = arith.constant 3 : i32
      %and3A_575 = arith.andi %min3A_570, %and3A_574 : i32
      %mul3A_576 = arith.constant 256 : i32
      %mul3A_577 = arith.muli %and3A_575, %mul3A_576 : i32
      %dma_start3A_578 = arith.constant 0 : i32
      %dma_start3A_579 = tpu.memref_slice %arg2[%dma_start3A_578, %add3A_573, %mul3A_577] : memref<1x1024x1024xf32, #tpu.memory_space<hbm>> -> memref<1x1x256xf32, #tpu.memory_space<hbm>>
      %dma_start3A_580 = tpu.memref_squeeze %dma_start3A_579 : memref<1x1x256xf32, #tpu.memory_space<hbm>> -> memref<256xf32, #tpu.memory_space<hbm>>
      %dma_start3A_581 = tpu.memref_slice %arg2[%dma_start3A_578, %add3A_573, %mul3A_577] : memref<1x1024x1024xf32, #tpu.memory_space<hbm>> -> memref<1x1x256xf32, #tpu.memory_space<hbm>>
      %dma_start3A_582 = tpu.memref_squeeze %dma_start3A_581 : memref<1x1x256xf32, #tpu.memory_space<hbm>> -> memref<256xf32, #tpu.memory_space<hbm>>
      tpu.enqueue_dma source(%dma_start3A_582 : memref<256xf32, #tpu.memory_space<hbm>>) target(%arg7 : memref<256xf32, #tpu.memory_space<vmem>>) target_semaphore(%arg15 : memref<!tpu.dma_semaphore, #tpu.memory_space<semaphore_mem>>)
      %scan3A_583 = arith.constant 0 : i32
      scf.yield %scan3A_583 : i32
    }
    %scan3A_212 = arith.constant 41 : i32
    %shift_right_logical3A_213 = arith.constant 126 : i32
    %shift_right_logical3A_214 = arith.constant 2 : i32
    %shift_right_logical3A_215 = arith.shrui %shift_right_logical3A_213, %shift_right_logical3A_214 : i32
    %add3A_216 = arith.addi %mul3A_2, %shift_right_logical3A_215 : i32
    %and3A_217 = arith.constant 126 : i32
    %and3A_218 = arith.constant 3 : i32
    %and3A_219 = arith.andi %and3A_217, %and3A_218 : i32
    %mul3A_220 = arith.constant 256 : i32
    %mul3A_221 = arith.muli %and3A_219, %mul3A_220 : i32
    %dma_wait3A_222 = arith.constant 0 : i32
    %dma_wait3A_223 = arith.constant 0 : i32
    %dma_wait3A_224 = tpu.memref_slice %arg4[%dma_wait3A_222, %add3A_216, %mul3A_221, %dma_wait3A_223] : memref<1x1024x1024x64xf32, #tpu.memory_space<hbm>> -> memref<1x1x256x64xf32, #tpu.memory_space<hbm>>
    %dma_wait3A_225 = tpu.memref_squeeze %dma_wait3A_224 : memref<1x1x256x64xf32, #tpu.memory_space<hbm>> -> memref<256x64xf32, #tpu.memory_space<hbm>>
    %dma_wait3A_226 = arith.constant 0 : i32
    %dma_wait3A_227 = tpu.memref_slice %arg4[%dma_wait3A_222, %add3A_216, %mul3A_221, %dma_wait3A_226] : memref<1x1024x1024x64xf32, #tpu.memory_space<hbm>> -> memref<1x1x256x64xf32, #tpu.memory_space<hbm>>
    %dma_wait3A_228 = tpu.memref_squeeze %dma_wait3A_227 : memref<1x1x256x64xf32, #tpu.memory_space<hbm>> -> memref<256x64xf32, #tpu.memory_space<hbm>>
    tpu.wait_dma2 semaphore(%arg16 : memref<!tpu.dma_semaphore, #tpu.memory_space<semaphore_mem>>) src(%arg8 : memref<256x64xf32, #tpu.memory_space<vmem>>) dst(%dma_wait3A_228 : memref<256x64xf32, #tpu.memory_space<hbm>>)
    %shift_right_logical3A_229 = arith.constant 126 : i32
    %shift_right_logical3A_230 = arith.constant 2 : i32
    %shift_right_logical3A_231 = arith.shrui %shift_right_logical3A_229, %shift_right_logical3A_230 : i32
    %add3A_232 = arith.addi %mul3A_2, %shift_right_logical3A_231 : i32
    %and3A_233 = arith.constant 126 : i32
    %and3A_234 = arith.constant 3 : i32
    %and3A_235 = arith.andi %and3A_233, %and3A_234 : i32
    %mul3A_236 = arith.constant 256 : i32
    %mul3A_237 = arith.muli %and3A_235, %mul3A_236 : i32
    %dma_wait3A_238 = arith.constant 0 : i32
    %dma_wait3A_239 = tpu.memref_slice %arg2[%dma_wait3A_238, %add3A_232, %mul3A_237] : memref<1x1024x1024xf32, #tpu.memory_space<hbm>> -> memref<1x1x256xf32, #tpu.memory_space<hbm>>
    %dma_wait3A_240 = tpu.memref_squeeze %dma_wait3A_239 : memref<1x1x256xf32, #tpu.memory_space<hbm>> -> memref<256xf32, #tpu.memory_space<hbm>>
    %dma_wait3A_241 = tpu.memref_slice %arg2[%dma_wait3A_238, %add3A_232, %mul3A_237] : memref<1x1024x1024xf32, #tpu.memory_space<hbm>> -> memref<1x1x256xf32, #tpu.memory_space<hbm>>
    %dma_wait3A_242 = tpu.memref_squeeze %dma_wait3A_241 : memref<1x1x256xf32, #tpu.memory_space<hbm>> -> memref<256xf32, #tpu.memory_space<hbm>>
    tpu.wait_dma2 semaphore(%arg13 : memref<!tpu.dma_semaphore, #tpu.memory_space<semaphore_mem>>) src(%dma_wait3A_242 : memref<256xf32, #tpu.memory_space<hbm>>) dst(%arg5 : memref<256xf32, #tpu.memory_space<vmem>>)
    %scan3A_243 = arith.constant 0 : i32
    %scan3A_244 = arith.constant 0 : i32
    %scan3A_245 = arith.constant 16 : i32
    %scan3A_246 = arith.addi %scan3A_244, %scan3A_245 : i32
    %scan3A_247 = arith.constant 1 : i32
    %scan3A_248 = scf.for %scan3A_381 = %scan3A_244 to %scan3A_246 step %scan3A_247 iter_args(%scan3A_382 = %scan3A_243) -> (i32)  : i32 {
      %mul3A_383 = arith.constant 16 : i32
      %mul3A_384 = arith.muli %scan3A_381, %mul3A_383 : i32
      %add3A_385 = vector.broadcast %mul3A_384 : i32 to vector<16xi32>
      %add3A_386 = arith.addi %iota3A, %add3A_385 : vector<16xi32>
      %add3A_387 = arith.constant 0 : i32
      %add3A_388 = vector.broadcast %add3A_387 : i32 to vector<16xi32>
      %add3A_389 = arith.addi %add3A_386, %add3A_388 : vector<16xi32>
      %gather3A = tpu.vector_load_idx %arg11[%add3A_389] : memref<768xi32, #tpu.memory_space<vmem>>[vector<16xi32>], vector<16xi32>,
      tpu.vector_store_idx %arg8[%add3A_386, %gather3A], %broadcast_in_dim3A_5 : memref<256x64xf32, #tpu.memory_space<vmem>>[vector<16xi32>, vector<16xi32>], vector<16xf32>,
      %gather3A_390 = tpu.vector_load_idx %arg5[%add3A_386] : memref<256xf32, #tpu.memory_space<vmem>>[vector<16xi32>], vector<16xf32>,
      %broadcast_in_dim3A_391 = arith.constant 66 : i32
      %broadcast_in_dim3A_392 = vector.broadcast %broadcast_in_dim3A_391 : i32 to vector<16xi32>
      %gather3A_393 = tpu.vector_load_idx %arg12[%broadcast_in_dim3A_392] : memref<80xf32, #tpu.memory_space<vmem>>[vector<16xi32>], vector<16xf32>,
      %broadcast_in_dim3A_394 = arith.constant 65 : i32
      %broadcast_in_dim3A_395 = vector.broadcast %broadcast_in_dim3A_394 : i32 to vector<16xi32>
      %gather3A_396 = tpu.vector_load_idx %arg12[%broadcast_in_dim3A_395] : memref<80xf32, #tpu.memory_space<vmem>>[vector<16xi32>], vector<16xf32>,
      %sub3A = arith.subf %gather3A_390, %gather3A_393 : vector<16xf32>
      %mul3A_397 = arith.mulf %sub3A, %gather3A_396 : vector<16xf32>
      %max3A = arith.constant 0.000000e+00 : f32
      %max3A_398 = vector.broadcast %max3A : f32 to vector<16xf32>
      %max3A_399 = arith.maximumf %mul3A_397, %max3A_398 : vector<16xf32>
      %convert_element_type3A = arith.fptosi %max3A_399 : vector<16xf32> to vector<16xi32>
      %min3A = arith.constant 63 : i32
      %min3A_400 = vector.broadcast %min3A : i32 to vector<16xi32>
      %min3A_401 = arith.minsi %convert_element_type3A, %min3A_400 : vector<16xi32>
      %gather3A_402 = tpu.vector_load_idx %arg12[%min3A_401] : memref<80xf32, #tpu.memory_space<vmem>>[vector<16xi32>], vector<16xf32>,
      %le3A = arith.cmpf ole, %gather3A_390, %gather3A_402 : vector<16xf32>
      %gt3A = arith.constant 0 : i32
      %gt3A_403 = vector.broadcast %gt3A : i32 to vector<16xi32>
      %gt3A_404 = arith.cmpi sgt, %min3A_401, %gt3A_403 : vector<16xi32>
      %and3A_405 = arith.andi %le3A, %gt3A_404 : vector<16xi1>
      %sub3A_406 = arith.constant 1 : i32
      %sub3A_407 = vector.broadcast %sub3A_406 : i32 to vector<16xi32>
      %sub3A_408 = arith.subi %min3A_401, %sub3A_407 : vector<16xi32>
      %select_n3A = arith.select %and3A_405, %sub3A_408, %min3A_401 : vector<16xi1>, vector<16xi32>
      %add3A_409 = arith.constant 1 : i32
      %add3A_410 = vector.broadcast %add3A_409 : i32 to vector<16xi32>
      %add3A_411 = arith.addi %select_n3A, %add3A_410 : vector<16xi32>
      %gather3A_412 = tpu.vector_load_idx %arg12[%add3A_411] : memref<80xf32, #tpu.memory_space<vmem>>[vector<16xi32>], vector<16xf32>,
      %gt3A_413 = arith.cmpf ogt, %gather3A_390, %gather3A_412 : vector<16xf32>
      %lt3A = arith.constant 63 : i32
      %lt3A_414 = vector.broadcast %lt3A : i32 to vector<16xi32>
      %lt3A_415 = arith.cmpi slt, %select_n3A, %lt3A_414 : vector<16xi32>
      %and3A_416 = arith.andi %gt3A_413, %lt3A_415 : vector<16xi1>
      %add3A_417 = arith.constant 1 : i32
      %add3A_418 = vector.broadcast %add3A_417 : i32 to vector<16xi32>
      %add3A_419 = arith.addi %select_n3A, %add3A_418 : vector<16xi32>
      %select_n3A_420 = arith.select %and3A_416, %add3A_419, %select_n3A : vector<16xi1>, vector<16xi32>
      %add3A_421 = arith.constant 0 : i32
      %add3A_422 = vector.broadcast %add3A_421 : i32 to vector<16xi32>
      %add3A_423 = arith.addi %add3A_386, %add3A_422 : vector<16xi32>
      tpu.vector_store_idx %arg11[%add3A_423], %select_n3A_420 : memref<768xi32, #tpu.memory_space<vmem>>[vector<16xi32>], vector<16xi32>,
      tpu.vector_store_idx %arg8[%add3A_386, %select_n3A_420], %broadcast_in_dim3A_3 : memref<256x64xf32, #tpu.memory_space<vmem>>[vector<16xi32>, vector<16xi32>], vector<16xf32>,
      %scan3A_424 = arith.constant 0 : i32
      scf.yield %scan3A_424 : i32
    }
    %scan3A_249 = arith.constant 16 : i32
    %shift_right_logical3A_250 = arith.constant 126 : i32
    %shift_right_logical3A_251 = arith.constant 2 : i32
    %shift_right_logical3A_252 = arith.shrui %shift_right_logical3A_250, %shift_right_logical3A_251 : i32
    %add3A_253 = arith.addi %mul3A_2, %shift_right_logical3A_252 : i32
    %and3A_254 = arith.constant 126 : i32
    %and3A_255 = arith.constant 3 : i32
    %and3A_256 = arith.andi %and3A_254, %and3A_255 : i32
    %mul3A_257 = arith.constant 256 : i32
    %mul3A_258 = arith.muli %and3A_256, %mul3A_257 : i32
    %dma_start3A_259 = arith.constant 0 : i32
    %dma_start3A_260 = arith.constant 0 : i32
    %dma_start3A_261 = tpu.memref_slice %arg4[%dma_start3A_259, %add3A_253, %mul3A_258, %dma_start3A_260] : memref<1x1024x1024x64xf32, #tpu.memory_space<hbm>> -> memref<1x1x256x64xf32, #tpu.memory_space<hbm>>
    %dma_start3A_262 = tpu.memref_squeeze %dma_start3A_261 : memref<1x1x256x64xf32, #tpu.memory_space<hbm>> -> memref<256x64xf32, #tpu.memory_space<hbm>>
    %dma_start3A_263 = arith.constant 0 : i32
    %dma_start3A_264 = tpu.memref_slice %arg4[%dma_start3A_259, %add3A_253, %mul3A_258, %dma_start3A_263] : memref<1x1024x1024x64xf32, #tpu.memory_space<hbm>> -> memref<1x1x256x64xf32, #tpu.memory_space<hbm>>
    %dma_start3A_265 = tpu.memref_squeeze %dma_start3A_264 : memref<1x1x256x64xf32, #tpu.memory_space<hbm>> -> memref<256x64xf32, #tpu.memory_space<hbm>>
    tpu.enqueue_dma source(%arg8 : memref<256x64xf32, #tpu.memory_space<vmem>>) target(%dma_start3A_265 : memref<256x64xf32, #tpu.memory_space<hbm>>) target_semaphore(%arg16 : memref<!tpu.dma_semaphore, #tpu.memory_space<semaphore_mem>>)
    %shift_right_logical3A_266 = arith.constant 127 : i32
    %shift_right_logical3A_267 = arith.constant 2 : i32
    %shift_right_logical3A_268 = arith.shrui %shift_right_logical3A_266, %shift_right_logical3A_267 : i32
    %add3A_269 = arith.addi %mul3A_2, %shift_right_logical3A_268 : i32
    %and3A_270 = arith.constant 127 : i32
    %and3A_271 = arith.constant 3 : i32
    %and3A_272 = arith.andi %and3A_270, %and3A_271 : i32
    %mul3A_273 = arith.constant 256 : i32
    %mul3A_274 = arith.muli %and3A_272, %mul3A_273 : i32
    %dma_wait3A_275 = arith.constant 0 : i32
    %dma_wait3A_276 = arith.constant 0 : i32
    %dma_wait3A_277 = tpu.memref_slice %arg4[%dma_wait3A_275, %add3A_269, %mul3A_274, %dma_wait3A_276] : memref<1x1024x1024x64xf32, #tpu.memory_space<hbm>> -> memref<1x1x256x64xf32, #tpu.memory_space<hbm>>
    %dma_wait3A_278 = tpu.memref_squeeze %dma_wait3A_277 : memref<1x1x256x64xf32, #tpu.memory_space<hbm>> -> memref<256x64xf32, #tpu.memory_space<hbm>>
    %dma_wait3A_279 = arith.constant 0 : i32
    %dma_wait3A_280 = tpu.memref_slice %arg4[%dma_wait3A_275, %add3A_269, %mul3A_274, %dma_wait3A_279] : memref<1x1024x1024x64xf32, #tpu.memory_space<hbm>> -> memref<1x1x256x64xf32, #tpu.memory_space<hbm>>
    %dma_wait3A_281 = tpu.memref_squeeze %dma_wait3A_280 : memref<1x1x256x64xf32, #tpu.memory_space<hbm>> -> memref<256x64xf32, #tpu.memory_space<hbm>>
    tpu.wait_dma2 semaphore(%arg17 : memref<!tpu.dma_semaphore, #tpu.memory_space<semaphore_mem>>) src(%arg9 : memref<256x64xf32, #tpu.memory_space<vmem>>) dst(%dma_wait3A_281 : memref<256x64xf32, #tpu.memory_space<hbm>>)
    %shift_right_logical3A_282 = arith.constant 127 : i32
    %shift_right_logical3A_283 = arith.constant 2 : i32
    %shift_right_logical3A_284 = arith.shrui %shift_right_logical3A_282, %shift_right_logical3A_283 : i32
    %add3A_285 = arith.addi %mul3A_2, %shift_right_logical3A_284 : i32
    %and3A_286 = arith.constant 127 : i32
    %and3A_287 = arith.constant 3 : i32
    %and3A_288 = arith.andi %and3A_286, %and3A_287 : i32
    %mul3A_289 = arith.constant 256 : i32
    %mul3A_290 = arith.muli %and3A_288, %mul3A_289 : i32
    %dma_wait3A_291 = arith.constant 0 : i32
    %dma_wait3A_292 = tpu.memref_slice %arg2[%dma_wait3A_291, %add3A_285, %mul3A_290] : memref<1x1024x1024xf32, #tpu.memory_space<hbm>> -> memref<1x1x256xf32, #tpu.memory_space<hbm>>
    %dma_wait3A_293 = tpu.memref_squeeze %dma_wait3A_292 : memref<1x1x256xf32, #tpu.memory_space<hbm>> -> memref<256xf32, #tpu.memory_space<hbm>>
    %dma_wait3A_294 = tpu.memref_slice %arg2[%dma_wait3A_291, %add3A_285, %mul3A_290] : memref<1x1024x1024xf32, #tpu.memory_space<hbm>> -> memref<1x1x256xf32, #tpu.memory_space<hbm>>
    %dma_wait3A_295 = tpu.memref_squeeze %dma_wait3A_294 : memref<1x1x256xf32, #tpu.memory_space<hbm>> -> memref<256xf32, #tpu.memory_space<hbm>>
    tpu.wait_dma2 semaphore(%arg14 : memref<!tpu.dma_semaphore, #tpu.memory_space<semaphore_mem>>) src(%dma_wait3A_295 : memref<256xf32, #tpu.memory_space<hbm>>) dst(%arg6 : memref<256xf32, #tpu.memory_space<vmem>>)
    %scan3A_296 = arith.constant 0 : i32
    %scan3A_297 = arith.constant 0 : i32
    %scan3A_298 = arith.constant 16 : i32
    %scan3A_299 = arith.addi %scan3A_297, %scan3A_298 : i32
    %scan3A_300 = arith.constant 1 : i32
    %scan3A_301 = scf.for %scan3A_381 = %scan3A_297 to %scan3A_299 step %scan3A_300 iter_args(%scan3A_382 = %scan3A_296) -> (i32)  : i32 {
      %mul3A_383 = arith.constant 16 : i32
      %mul3A_384 = arith.muli %scan3A_381, %mul3A_383 : i32
      %add3A_385 = vector.broadcast %mul3A_384 : i32 to vector<16xi32>
      %add3A_386 = arith.addi %iota3A, %add3A_385 : vector<16xi32>
      %add3A_387 = arith.constant 256 : i32
      %add3A_388 = vector.broadcast %add3A_387 : i32 to vector<16xi32>
      %add3A_389 = arith.addi %add3A_386, %add3A_388 : vector<16xi32>
      %gather3A = tpu.vector_load_idx %arg11[%add3A_389] : memref<768xi32, #tpu.memory_space<vmem>>[vector<16xi32>], vector<16xi32>,
      tpu.vector_store_idx %arg9[%add3A_386, %gather3A], %broadcast_in_dim3A_5 : memref<256x64xf32, #tpu.memory_space<vmem>>[vector<16xi32>, vector<16xi32>], vector<16xf32>,
      %gather3A_390 = tpu.vector_load_idx %arg6[%add3A_386] : memref<256xf32, #tpu.memory_space<vmem>>[vector<16xi32>], vector<16xf32>,
      %broadcast_in_dim3A_391 = arith.constant 66 : i32
      %broadcast_in_dim3A_392 = vector.broadcast %broadcast_in_dim3A_391 : i32 to vector<16xi32>
      %gather3A_393 = tpu.vector_load_idx %arg12[%broadcast_in_dim3A_392] : memref<80xf32, #tpu.memory_space<vmem>>[vector<16xi32>], vector<16xf32>,
      %broadcast_in_dim3A_394 = arith.constant 65 : i32
      %broadcast_in_dim3A_395 = vector.broadcast %broadcast_in_dim3A_394 : i32 to vector<16xi32>
      %gather3A_396 = tpu.vector_load_idx %arg12[%broadcast_in_dim3A_395] : memref<80xf32, #tpu.memory_space<vmem>>[vector<16xi32>], vector<16xf32>,
      %sub3A = arith.subf %gather3A_390, %gather3A_393 : vector<16xf32>
      %mul3A_397 = arith.mulf %sub3A, %gather3A_396 : vector<16xf32>
      %max3A = arith.constant 0.000000e+00 : f32
      %max3A_398 = vector.broadcast %max3A : f32 to vector<16xf32>
      %max3A_399 = arith.maximumf %mul3A_397, %max3A_398 : vector<16xf32>
      %convert_element_type3A = arith.fptosi %max3A_399 : vector<16xf32> to vector<16xi32>
      %min3A = arith.constant 63 : i32
      %min3A_400 = vector.broadcast %min3A : i32 to vector<16xi32>
      %min3A_401 = arith.minsi %convert_element_type3A, %min3A_400 : vector<16xi32>
      %gather3A_402 = tpu.vector_load_idx %arg12[%min3A_401] : memref<80xf32, #tpu.memory_space<vmem>>[vector<16xi32>], vector<16xf32>,
      %le3A = arith.cmpf ole, %gather3A_390, %gather3A_402 : vector<16xf32>
      %gt3A = arith.constant 0 : i32
      %gt3A_403 = vector.broadcast %gt3A : i32 to vector<16xi32>
      %gt3A_404 = arith.cmpi sgt, %min3A_401, %gt3A_403 : vector<16xi32>
      %and3A_405 = arith.andi %le3A, %gt3A_404 : vector<16xi1>
      %sub3A_406 = arith.constant 1 : i32
      %sub3A_407 = vector.broadcast %sub3A_406 : i32 to vector<16xi32>
      %sub3A_408 = arith.subi %min3A_401, %sub3A_407 : vector<16xi32>
      %select_n3A = arith.select %and3A_405, %sub3A_408, %min3A_401 : vector<16xi1>, vector<16xi32>
      %add3A_409 = arith.constant 1 : i32
      %add3A_410 = vector.broadcast %add3A_409 : i32 to vector<16xi32>
      %add3A_411 = arith.addi %select_n3A, %add3A_410 : vector<16xi32>
      %gather3A_412 = tpu.vector_load_idx %arg12[%add3A_411] : memref<80xf32, #tpu.memory_space<vmem>>[vector<16xi32>], vector<16xf32>,
      %gt3A_413 = arith.cmpf ogt, %gather3A_390, %gather3A_412 : vector<16xf32>
      %lt3A = arith.constant 63 : i32
      %lt3A_414 = vector.broadcast %lt3A : i32 to vector<16xi32>
      %lt3A_415 = arith.cmpi slt, %select_n3A, %lt3A_414 : vector<16xi32>
      %and3A_416 = arith.andi %gt3A_413, %lt3A_415 : vector<16xi1>
      %add3A_417 = arith.constant 1 : i32
      %add3A_418 = vector.broadcast %add3A_417 : i32 to vector<16xi32>
      %add3A_419 = arith.addi %select_n3A, %add3A_418 : vector<16xi32>
      %select_n3A_420 = arith.select %and3A_416, %add3A_419, %select_n3A : vector<16xi1>, vector<16xi32>
      %add3A_421 = arith.constant 256 : i32
      %add3A_422 = vector.broadcast %add3A_421 : i32 to vector<16xi32>
      %add3A_423 = arith.addi %add3A_386, %add3A_422 : vector<16xi32>
      tpu.vector_store_idx %arg11[%add3A_423], %select_n3A_420 : memref<768xi32, #tpu.memory_space<vmem>>[vector<16xi32>], vector<16xi32>,
      tpu.vector_store_idx %arg9[%add3A_386, %select_n3A_420], %broadcast_in_dim3A_3 : memref<256x64xf32, #tpu.memory_space<vmem>>[vector<16xi32>, vector<16xi32>], vector<16xf32>,
      %scan3A_424 = arith.constant 0 : i32
      scf.yield %scan3A_424 : i32
    }
    %scan3A_302 = arith.constant 16 : i32
    %shift_right_logical3A_303 = arith.constant 127 : i32
    %shift_right_logical3A_304 = arith.constant 2 : i32
    %shift_right_logical3A_305 = arith.shrui %shift_right_logical3A_303, %shift_right_logical3A_304 : i32
    %add3A_306 = arith.addi %mul3A_2, %shift_right_logical3A_305 : i32
    %and3A_307 = arith.constant 127 : i32
    %and3A_308 = arith.constant 3 : i32
    %and3A_309 = arith.andi %and3A_307, %and3A_308 : i32
    %mul3A_310 = arith.constant 256 : i32
    %mul3A_311 = arith.muli %and3A_309, %mul3A_310 : i32
    %dma_start3A_312 = arith.constant 0 : i32
    %dma_start3A_313 = arith.constant 0 : i32
    %dma_start3A_314 = tpu.memref_slice %arg4[%dma_start3A_312, %add3A_306, %mul3A_311, %dma_start3A_313] : memref<1x1024x1024x64xf32, #tpu.memory_space<hbm>> -> memref<1x1x256x64xf32, #tpu.memory_space<hbm>>
    %dma_start3A_315 = tpu.memref_squeeze %dma_start3A_314 : memref<1x1x256x64xf32, #tpu.memory_space<hbm>> -> memref<256x64xf32, #tpu.memory_space<hbm>>
    %dma_start3A_316 = arith.constant 0 : i32
    %dma_start3A_317 = tpu.memref_slice %arg4[%dma_start3A_312, %add3A_306, %mul3A_311, %dma_start3A_316] : memref<1x1024x1024x64xf32, #tpu.memory_space<hbm>> -> memref<1x1x256x64xf32, #tpu.memory_space<hbm>>
    %dma_start3A_318 = tpu.memref_squeeze %dma_start3A_317 : memref<1x1x256x64xf32, #tpu.memory_space<hbm>> -> memref<256x64xf32, #tpu.memory_space<hbm>>
    tpu.enqueue_dma source(%arg9 : memref<256x64xf32, #tpu.memory_space<vmem>>) target(%dma_start3A_318 : memref<256x64xf32, #tpu.memory_space<hbm>>) target_semaphore(%arg17 : memref<!tpu.dma_semaphore, #tpu.memory_space<semaphore_mem>>)
    %shift_right_logical3A_319 = arith.constant 0 : i32
    %shift_right_logical3A_320 = arith.constant 2 : i32
    %shift_right_logical3A_321 = arith.shrui %shift_right_logical3A_319, %shift_right_logical3A_320 : i32
    %add3A_322 = arith.addi %mul3A_2, %shift_right_logical3A_321 : i32
    %and3A_323 = arith.constant 0 : i32
    %and3A_324 = arith.constant 3 : i32
    %and3A_325 = arith.andi %and3A_323, %and3A_324 : i32
    %mul3A_326 = arith.constant 256 : i32
    %mul3A_327 = arith.muli %and3A_325, %mul3A_326 : i32
    %dma_wait3A_328 = arith.constant 0 : i32
    %dma_wait3A_329 = arith.constant 0 : i32
    %dma_wait3A_330 = tpu.memref_slice %arg4[%dma_wait3A_328, %add3A_322, %mul3A_327, %dma_wait3A_329] : memref<1x1024x1024x64xf32, #tpu.memory_space<hbm>> -> memref<1x1x256x64xf32, #tpu.memory_space<hbm>>
    %dma_wait3A_331 = tpu.memref_squeeze %dma_wait3A_330 : memref<1x1x256x64xf32, #tpu.memory_space<hbm>> -> memref<256x64xf32, #tpu.memory_space<hbm>>
    %dma_wait3A_332 = arith.constant 0 : i32
    %dma_wait3A_333 = tpu.memref_slice %arg4[%dma_wait3A_328, %add3A_322, %mul3A_327, %dma_wait3A_332] : memref<1x1024x1024x64xf32, #tpu.memory_space<hbm>> -> memref<1x1x256x64xf32, #tpu.memory_space<hbm>>
    %dma_wait3A_334 = tpu.memref_squeeze %dma_wait3A_333 : memref<1x1x256x64xf32, #tpu.memory_space<hbm>> -> memref<256x64xf32, #tpu.memory_space<hbm>>
    tpu.wait_dma2 semaphore(%arg16 : memref<!tpu.dma_semaphore, #tpu.memory_space<semaphore_mem>>) src(%arg8 : memref<256x64xf32, #tpu.memory_space<vmem>>) dst(%dma_wait3A_334 : memref<256x64xf32, #tpu.memory_space<hbm>>)
    %shift_right_logical3A_335 = arith.constant 0 : i32
    %shift_right_logical3A_336 = arith.constant 2 : i32
    %shift_right_logical3A_337 = arith.shrui %shift_right_logical3A_335, %shift_right_logical3A_336 : i32
    %add3A_338 = arith.addi %mul3A_2, %shift_right_logical3A_337 : i32
    %and3A_339 = arith.constant 0 : i32
    %and3A_340 = arith.constant 3 : i32
    %and3A_341 = arith.andi %and3A_339, %and3A_340 : i32
    %mul3A_342 = arith.constant 256 : i32
    %mul3A_343 = arith.muli %and3A_341, %mul3A_342 : i32
    %dma_wait3A_344 = arith.constant 0 : i32
    %dma_wait3A_345 = arith.constant 0 : i32
    %dma_wait3A_346 = tpu.memref_slice %arg4[%dma_wait3A_344, %add3A_338, %mul3A_343, %dma_wait3A_345] : memref<1x1024x1024x64xf32, #tpu.memory_space<hbm>> -> memref<1x1x256x64xf32, #tpu.memory_space<hbm>>
    %dma_wait3A_347 = tpu.memref_squeeze %dma_wait3A_346 : memref<1x1x256x64xf32, #tpu.memory_space<hbm>> -> memref<256x64xf32, #tpu.memory_space<hbm>>
    %dma_wait3A_348 = arith.constant 0 : i32
    %dma_wait3A_349 = tpu.memref_slice %arg4[%dma_wait3A_344, %add3A_338, %mul3A_343, %dma_wait3A_348] : memref<1x1024x1024x64xf32, #tpu.memory_space<hbm>> -> memref<1x1x256x64xf32, #tpu.memory_space<hbm>>
    %dma_wait3A_350 = tpu.memref_squeeze %dma_wait3A_349 : memref<1x1x256x64xf32, #tpu.memory_space<hbm>> -> memref<256x64xf32, #tpu.memory_space<hbm>>
    tpu.wait_dma2 semaphore(%arg17 : memref<!tpu.dma_semaphore, #tpu.memory_space<semaphore_mem>>) src(%arg9 : memref<256x64xf32, #tpu.memory_space<vmem>>) dst(%dma_wait3A_350 : memref<256x64xf32, #tpu.memory_space<hbm>>)
    %shift_right_logical3A_351 = arith.constant 0 : i32
    %shift_right_logical3A_352 = arith.constant 2 : i32
    %shift_right_logical3A_353 = arith.shrui %shift_right_logical3A_351, %shift_right_logical3A_352 : i32
    %add3A_354 = arith.addi %mul3A_2, %shift_right_logical3A_353 : i32
    %and3A_355 = arith.constant 0 : i32
    %and3A_356 = arith.constant 3 : i32
    %and3A_357 = arith.andi %and3A_355, %and3A_356 : i32
    %mul3A_358 = arith.constant 256 : i32
    %mul3A_359 = arith.muli %and3A_357, %mul3A_358 : i32
    %dma_wait3A_360 = arith.constant 0 : i32
    %dma_wait3A_361 = arith.constant 0 : i32
    %dma_wait3A_362 = tpu.memref_slice %arg4[%dma_wait3A_360, %add3A_354, %mul3A_359, %dma_wait3A_361] : memref<1x1024x1024x64xf32, #tpu.memory_space<hbm>> -> memref<1x1x256x64xf32, #tpu.memory_space<hbm>>
    %dma_wait3A_363 = tpu.memref_squeeze %dma_wait3A_362 : memref<1x1x256x64xf32, #tpu.memory_space<hbm>> -> memref<256x64xf32, #tpu.memory_space<hbm>>
    %dma_wait3A_364 = arith.constant 0 : i32
    %dma_wait3A_365 = tpu.memref_slice %arg4[%dma_wait3A_360, %add3A_354, %mul3A_359, %dma_wait3A_364] : memref<1x1024x1024x64xf32, #tpu.memory_space<hbm>> -> memref<1x1x256x64xf32, #tpu.memory_space<hbm>>
    %dma_wait3A_366 = tpu.memref_squeeze %dma_wait3A_365 : memref<1x1x256x64xf32, #tpu.memory_space<hbm>> -> memref<256x64xf32, #tpu.memory_space<hbm>>
    tpu.wait_dma2 semaphore(%arg18 : memref<!tpu.dma_semaphore, #tpu.memory_space<semaphore_mem>>) src(%arg10 : memref<256x64xf32, #tpu.memory_space<vmem>>) dst(%dma_wait3A_366 : memref<256x64xf32, #tpu.memory_space<hbm>>)
    %shift_right_logical3A_367 = arith.constant 0 : i32
    %shift_right_logical3A_368 = arith.constant 2 : i32
    %shift_right_logical3A_369 = arith.shrui %shift_right_logical3A_367, %shift_right_logical3A_368 : i32
    %add3A_370 = arith.addi %mul3A_2, %shift_right_logical3A_369 : i32
    %and3A_371 = arith.constant 0 : i32
    %and3A_372 = arith.constant 3 : i32
    %and3A_373 = arith.andi %and3A_371, %and3A_372 : i32
    %mul3A_374 = arith.constant 256 : i32
    %mul3A_375 = arith.muli %and3A_373, %mul3A_374 : i32
    %dma_wait3A_376 = arith.constant 0 : i32
    %dma_wait3A_377 = tpu.memref_slice %arg2[%dma_wait3A_376, %add3A_370, %mul3A_375] : memref<1x1024x1024xf32, #tpu.memory_space<hbm>> -> memref<1x1x256xf32, #tpu.memory_space<hbm>>
    %dma_wait3A_378 = tpu.memref_squeeze %dma_wait3A_377 : memref<1x1x256xf32, #tpu.memory_space<hbm>> -> memref<256xf32, #tpu.memory_space<hbm>>
    %dma_wait3A_379 = tpu.memref_slice %arg2[%dma_wait3A_376, %add3A_370, %mul3A_375] : memref<1x1024x1024xf32, #tpu.memory_space<hbm>> -> memref<1x1x256xf32, #tpu.memory_space<hbm>>
    %dma_wait3A_380 = tpu.memref_squeeze %dma_wait3A_379 : memref<1x1x256xf32, #tpu.memory_space<hbm>> -> memref<256xf32, #tpu.memory_space<hbm>>
    tpu.wait_dma2 semaphore(%arg15 : memref<!tpu.dma_semaphore, #tpu.memory_space<semaphore_mem>>) src(%dma_wait3A_380 : memref<256xf32, #tpu.memory_space<hbm>>) dst(%arg7 : memref<256xf32, #tpu.memory_space<vmem>>)
    return
  }
}

</mosaic_0001>

<sc_bundles>
// kernel: kernel.3.cloned.1.call-start
scs
__scs_entry_jumppad:
0x0: {  	(pc) =	sbr.rel $0x88, $3  }
0x1: {  	(tag) =	ssettag $0x0;
	lr =	simm.s32 $0x1  }
0x2: {  	[smem:$0x3F9F] =	sst lr;
	_ =	strace $0xD0000000  }
0x3: {  	_ = 	snop  }
0x4: {  	_ = 	snop  }
0x5: {  	_ = 	snop  }
0x6: {  	_ = 	snop  }
0x7: {  	_ = 	snop  }
__scs_overlays_trampoline_lowered:
0x8: {  	[smem:$0x3FAE] =	sst s0  }
0x9: {  	[smem:$0x3FAF] =	sst s1  }
0xa: {  	[smem:$0x3FB0] =	sst s2  }
0xb: {  	[smem:$0x3FB1] =	sst s3  }
0xc: {  	[smem:$0x3FB2] =	sst s4  }
0xd: {  	[smem:$0x3FB3] =	sst s5  }
0xe: {  	[smem:$0x3FB4] =	sst s6  }
0xf: {  	[smem:$0x3FB5] =	sst s7  }
0x10: {  	[smem:$0x3FB6] =	sst s8  }
0x11: {  	[smem:$0x3FB7] =	sst s9;
	s0 =	simm.s32 @!p0 $0x0  }
0x12: {  	s1 =	sld [smem:$0x3F9D];
	s0 =	simm.s32 @p0 $0x1  }
0x13: {  	[smem:$0x3FB8] =	sst s0;
	s0 =	simm.s32 @!p1 $0x0  }
0x14: {  	s2 =	sld [smem:$0x3F9C];
	s0 =	simm.s32 @p1 $0x1  }
0x15: {  	[smem:$0x3FB9] =	sst s0;
	s0 =	simm.s32 @!p2 $0x0  }
0x16: {  	s3 =	sld [smem:$0x3FDB];
	s0 =	simm.s32 @p2 $0x1  }
0x17: {  	s4 =	simm.s32 $0x1BF5;
	[smem:$0x3FBB] =	sst s0  }
0x18: {  	s0 =	sld [smem:$0x3F9E];
	_ =	swait.ge [sflag:s4], $0x0  }
0x19: {  	s7 =	sld [smem:$0x3F9F]  }
0x1a: {  	s8 =	sadd.s32 $0xFFFFE003, lr  }
0x1b: {  	s9 =	sadd.s32 $0xFFFFFEF7, lr;
	s5 =	simm.s32 $0xFFFFFFFF;
	p2 =	slt.u32 s8, $0xFFFFF086  }
0x1c: {  	p1 =	slt.u32 s9, $0xF7A;
	s5 =	simm.s32 @!p2 $0x0  }
0x1d: {  	s5 =	simm.s32 @p1 $0x1;
	p0 =	seq.s32 s7, s2  }
0x1e: {  	s7 =	smul.u32 @!p0 $0xF7A, s2;
	p2 =	seq.s32 @!p0 s5, $0x0  }
0x1f: {  	s9 =	smul.u32 $0xF7A, s1;
	s8 =	simm.s32 @!p0 $0x1BF5;
	p2 =	por !p2, p0  }
0x20: {  	[sflag:s8] =	ssyncset.s32 @!p0 $0xFFFFF086;
	s6 =	sadd.s32 @!p0 s3, s7;
	s7 =	simm.s32 @!p0 $0x108  }
0x21: {  	s3 =	sadd.s32 s3, s9;
	s6 =	sadd.s32 @!p0 $0x88, s6;
	s7 =	simm.s32 @p2 $0x1082  }
0x22: {  	[simem:s7], [sflag:s8] =	dma.local @!p0 [hbm:s6], $0xF7A  }
0x23: {  	s9 =	sor.u32 $0xD0000000, s2;
	s6 =	simm.s32 $0x108;
	_ =	swait.ge @!p0 [sflag:s8], $0x0  }
0x24: {  	s3 =	sadd.s32 $0x88, s3;
	s6 =	simm.s32 @!p1 $0x1082;
	[sflag:s4] =	ssyncset.s32 $0xFFFFF086  }
0x25: {  	[simem:s6], [sflag:s4] =	dma.local [hbm:s3], $0xF7A  }
0x26: {  	[smem:$0x3F9F] =	sst s1;
	(tag) =	ssettag s2;
	_ =	strace s9  }
0x27: {  	s1 =	sld [smem:$0x3FAF]  }
0x28: {  	s2 =	sld [smem:$0x3FB0]  }
0x29: {  	s4 =	sld [smem:$0x3FB2]  }
0x2a: {  	p0 =	seq.s32 s5, $0x0;
	s5 =	sld [smem:$0x3FB3]  }
0x2b: {  	s6 =	sld [smem:$0x3FB4]  }
0x2c: {  	s7 =	sld [smem:$0x3FB5]  }
0x2d: {  	s3 =	simm.s32 $0x108;
	s8 =	sld [smem:$0x3FB6]  }
0x2e: {  	s3 =	simm.s32 @!p0 $0x1082;
	s9 =	sld [smem:$0x3FB7]  }
0x2f: {  	lr =	sadd.s32 s0, s3;
	s0 =	sld [smem:$0x3FAE]  }
0x30: {  	s3 =	sld [smem:$0x3FB1]  }
0x31: {  	[smem:$0x3FBA] =	sst s10  }
0x32: {  	s10 =	sld [smem:$0x3FB8];
	_ =	sdelay $0x3  }
0x33: {  	p0 =	seq.s32 s10, $0x1;
	s10 =	sld [smem:$0x3FBA];
	_ =	sdelay $0x3  }
0x34: {  	[smem:$0x3FBA] =	sst s10  }
0x35: {  	s10 =	sld [smem:$0x3FB9];
	_ =	sdelay $0x3  }
0x36: {  	p1 =	seq.s32 s10, $0x1;
	s10 =	sld [smem:$0x3FBA];
	_ =	sdelay $0x3  }
0x37: {  	[smem:$0x3FBA] =	sst s10  }
0x38: {  	s10 =	sld [smem:$0x3FBB]  }
0x39: {  	_ = 	snop;
	(pc) =	sbr.ind lr, $3  }
0x3a: {  	_ = 	snop  }
0x3b: {  	_ = 	snop  }
0x3c: {  	p2 =	seq.s32 s10, $0x1;
	s10 =	sld [smem:$0x3FBA]  }
0x3d: {  	_ =	shalt  }
0x3e: {  	_ =	shalt  }
0x3f: {  	_ =	shalt  }
0x40: {  	_ =	shalt  }
0x41: {  	_ =	shalt  }
0x42: {  	_ =	shalt  }
0x43: {  	_ =	shalt  }
0x44: {  	_ =	shalt  }
0x45: {  	_ =	shalt  }
0x46: {  	_ =	shalt  }
0x47: {  	_ =	shalt  }
0x48: {  	_ =	shalt  }
0x49: {  	_ =	shalt  }
0x4a: {  	_ =	shalt  }
0x4b: {  	_ =	shalt  }
0x4c: {  	_ =	shalt  }
0x4d: {  	_ =	shalt  }
0x4e: {  	_ =	shalt  }
0x4f: {  	_ =	shalt  }
0x50: {  	_ =	shalt  }
0x51: {  	_ =	shalt  }
0x52: {  	_ =	shalt  }
0x53: {  	_ =	shalt  }
0x54: {  	_ =	shalt  }
0x55: {  	_ =	shalt  }
0x56: {  	_ =	shalt  }
0x57: {  	_ =	shalt  }
0x58: {  	_ =	shalt  }
0x59: {  	_ =	shalt  }
0x5a: {  	_ =	shalt  }
0x5b: {  	_ =	shalt  }
0x5c: {  	_ =	shalt  }
0x5d: {  	_ =	shalt  }
0x5e: {  	_ =	shalt  }
0x5f: {  	_ =	shalt  }
0x60: {  	_ =	shalt  }
0x61: {  	_ =	shalt  }
0x62: {  	_ =	shalt  }
0x63: {  	_ =	shalt  }
0x64: {  	_ =	shalt  }
0x65: {  	_ =	shalt  }
0x66: {  	_ =	shalt  }
0x67: {  	_ =	shalt  }
0x68: {  	_ =	shalt  }
0x69: {  	_ =	shalt  }
0x6a: {  	_ =	shalt  }
0x6b: {  	_ =	shalt  }
0x6c: {  	_ =	shalt  }
0x6d: {  	_ =	shalt  }
0x6e: {  	_ =	shalt  }
0x6f: {  	_ =	shalt  }
0x70: {  	_ =	shalt  }
0x71: {  	_ =	shalt  }
0x72: {  	_ =	shalt  }
0x73: {  	_ =	shalt  }
0x74: {  	_ =	shalt  }
0x75: {  	_ =	shalt  }
0x76: {  	_ =	shalt  }
0x77: {  	_ =	shalt  }
0x78: {  	_ =	shalt  }
0x79: {  	_ =	shalt  }
0x7a: {  	_ =	shalt  }
0x7b: {  	_ =	shalt  }
0x7c: {  	_ =	shalt  }
0x7d: {  	_ =	shalt  }
0x7e: {  	_ =	shalt  }
0x7f: {  	_ =	shalt  }
0x80: {  	_ =	shalt  }
0x81: {  	_ =	shalt  }
0x82: {  	_ =	shalt  }
0x83: {  	_ =	shalt  }
0x84: {  	_ =	shalt  }
0x85: {  	_ =	shalt  }
0x86: {  	_ =	shalt  }
0x87: {  	_ =	shalt  }
.Lfunc_end0:
.L_simem_size_0:
called_computation_lowered:
.L_overlay_start_0:
0x88: {  	s2 =	sld [smem:$0x3FD9]  }
0x89: {  	s3 =	sld [smem:$0x3FFE];
	_ =	sdelay $0x1  }
0x8a: {  	s1 =	srdreg.scid  }
0x8b: {  	s0 =	sand.u32 $0x1, s1  }
0x8c: {  	s17 =	sshll.u32 s0, $0xA;
	s2 =	sadd.s32 s3, s2  }
0x8d: {  	s2 =	sadd.s32 s2, s17  }
0x8e: {  	[smem:$0x3FC6] =	sst s2  }
0x8f: {  	_ = 	snop  }
0x90: {  	s2 =	sld [smem:$0x3FC9]  }
0x91: {  	s18 =	sld [smem:$0x3FD0];
	(tm) =	ssettm $0x1  }
0x92: {  	s4 =	sld [smem:$0x3FFB];
	_ =	sdelay $0x3  }
0x93: {  	_ =	strace s4  }
0x94: {  	s4 =	sld [smem:$0x3FFC];
	_ =	sdelay $0x3  }
0x95: {  	_ =	strace s4  }
0x96: {  	s4 =	sld [smem:$0x3FFD];
	_ =	sdelay $0x3  }
0x97: {  	_ =	strace s4  }
0x98: {  	_ =	strace $0x8FFFFFFF  }
0x99: {  	s19 =	sld [smem:$0x3FDB];
	_ =	sdelay $0x1  }
0x9a: {  	s5 =	simm.s32 $_scs_section_size  }
0x9b: {  	s6 =	simm.s32 $_size__tile_overlayer_lowered;
	s7 =	simm.s32 $_tile_overlayer_lowered  }
0x9c: {  	s22 =	simm.s32 $0x1BFF;
	s21 =	sshll.u32 s7, $0x1;
	s4 =	sadd.s32 s5, s19  }
0x9d: {  	s8 =	simm.s32 $0x0;
	s20 =	sshll.u32 s6, $0x1;
	s6 =	sadd.s32 s21, s4  }
0x9e: {  	[timem:s8], [sflag:s22] =	dma.local [hbm:s6], s20  }
0x9f: {  	_ =	swait.ge [sflag:s22], s20  }
0xa0: {  	s5 =	ssub.s32 $0x0, s20;
	[sflag:s22] =	ssyncset.done $0x0  }
0xa1: {  	[sflag:s22] =	ssyncadd.s32 s5;
	_ =	sdelay $0x1  }
0xa2: {  	s23 =	simm.s32 $0x1B8B  }
0xa3: {  	_ =	swait.ge [sflag:s23], $0x1  }
0xa4: {  	[sflag:s23] =	ssyncset.done $0x0  }
0xa5: {  	s25 =	simm.s32 $0x1B8E;
	s24 =	sld [smem:$0x3FFE];
	[sflag:s23] =	ssyncadd.s32 $0xFFFFFFFF  }
0xa6: {  	s26 =	simm.s32 $execute0_lowered;
	[smem:$0x3FD2] =	sst s25  }
0xa7: {  	s6 =	sshll.u32 s26, $0x1;
	_ =	strace $0x80000046;
	[dreg:$0x1] =	wrdreg $0xFFFFFFFF  }
0xa8: {  	s28 =	simm.s32 $_size_execute0_lowered;
	s4 =	sadd.s32 s4, s6;
	[dreg:$0x0] =	wrdreg $0x0  }
0xa9: {  	s6 =	sshll.u32 s28, $0x1;
	[dreg:$0x2] =	wrdreg s4  }
0xaa: {  	[dreg:$0x3] =	wrdreg s6  }
0xab: {  	[dreg:$0x4] =	wrdreg $0xC0  }
0xac: {  	_ =	task [dreg:s8], $0x5FFFF  }
0xad: {  	[dreg:$0x1] =	wrdreg $0xFFFFFFFF  }
0xae: {  	[dreg:$0x0] =	wrdreg $0x60  }
0xaf: {  	[dreg:$0x2] =	wrdreg s2  }
0xb0: {  	[dreg:$0x3] =	wrdreg s18  }
0xb1: {  	[dreg:$0x4] =	wrdreg s24  }
0xb2: {  	[dreg:$0x5] =	wrdreg $0x9  }
0xb3: {  	_ =	task.clear_ibuf [dreg:s8], $0x6FFFF;
	_ =	strace $0x90000046  }
0xb4: {  	s29 =	simm.s32 $0x9;
	_ =	strace $0x80000048  }
0xb5: {  	_ =	swait.ge [sflag:s29], $0x1  }
0xb6: {  	[sflag:s29] =	ssyncadd.s32 $0xFFFFFFFF  }
0xb7: {  	_ =	strace $0x90000048  }
0xb8: {  	_ =	sfence  }
0xb9: {  	s30 =	sld [smem:$0x0];
	_ =	sdelay $0x2  }
0xba: {  	s31 =	sshll.u32 s1, $0xD;
	s1 =	sshrl.u32 s1, $0x2  }
0xbb: {  	s3 =	sand.u32 $0x4000, s31;
	s1 =	sadd.s32 s1, s30  }
0xbc: {  	s0 =	sor.u32 s3, s0;
	s1 =	sshll.u32 s1, $0x11  }
0xbd: {  	s0 =	sor.u32 s1, s0  }
0xbe: {  	s0 =	sadd.s32 $0x8F2B, s0  }
0xbf: {  	[sflag:s0] =	ssyncadd.remote.s32 $0x1  }
0xc0: {  	_ =	sfence.sel $0xFFFF  }
0xc1: {  	[dreg:$0x0] =	wrdreg $0xFFFFFFFF;
	(pc) =	sbr.abs _section_cstart, $3  }
0xc2: {  	[dreg:$0x1] =	wrdreg $0xFFFFFFFF  }
0xc3: {  	_ =	task.clear_ibuf [dreg:s8], $0x2FFFF;
	_ =	strace $0x9FFFFFFF  }
0xc4: {  	(tm) =	ssettm $0x7FFFFFFF  }
0xc5: {  	_ =	shalt  }
tec
execute0_lowered:
.L_overlay_start_1:
0x0: {  	(tag) =	ssettag $0x1  }
0x1: {  	s1 =	rddreg [dreg:$0x0]  }
0x2: {  	s0 =	rddreg [dreg:$0x2];
	s2 =	srdreg.scid  }
0x3: {  	s3 =	stileid.u32;
	s4 =	simm.s32 $0x0;
	s28 =	simm.s32 $0x10300  }
0x4: {  	s29 =	simm.s32 $0x1;
	s30 =	simm.s32 $0x18300;
	s2 =	sand.u32 $0x1, s2  }
0x5: {  	s31 =	simm.s32 $0x2;
	s3 =	sshll.u32 s3, $0x6;
	s5 =	sshll.u32 s2, $0x5  }
0x6: {  	s8 =	simm.s32 $0x6;
	s9 =	simm.s32 $0x0;
	s5 =	sor.u32 s5, s3  }
0x7: {  	[smem:$0x7FF] =	sst s4;
	s2 =	ssub.s32 $0x2, s2;
	s3 =	sshll.u32 s5, $0x7  }
0x8: {  	s6 =	sadd.s32 $0x600, s0;
	s18 =	sshrl.u32 s2, $0x1;
	s7 =	sadd.s32 s1, s3  }
0x9: {  	_ =	strace $0x80000047;
	s0 =	ssub.s32 s2, s18;
	s19 =	sadd.s32 $0x100, s7  }
0xa: {  	s20 =	sshll.u32 s5, $0xE;
	s3 =	sadd.s32 $0x200, s7;
	[dreg:$0x4] =	wrdreg s19  }
0xb: {  	s10 =	sadd.s32 s6, s20;
	s21 =	sadd.s32 $0x300, s7;
	[dreg:$0x5] =	wrdreg s3  }
0xc: {  	s2 =	simm.s32 $0x4;
	s22 =	sadd.s32 $0x1000, s10;
	[dreg:$0x6] =	wrdreg s21  }
0xd: {  	s18 =	smax.u32 s0, $0x1;
	s23 =	sadd.s32 $0x10, s7;
	[dreg:$0x7] =	wrdreg s22  }
0xe: {  	s20 =	simm.s32 $0x7;
	s24 =	sadd.s32 $0x2000, s10;
	[dreg:$0x8] =	wrdreg s23  }
0xf: {  	s0 =	simm.s32 $0x3;
	s25 =	sadd.s32 $0x110, s7;
	[dreg:$0x9] =	wrdreg s24  }
0x10: {  	s26 =	sadd.s32 $0x7E000, s10;
	s17 =	sadd.s32 $0x7F000, s10;
	[dreg:$0xa] =	wrdreg s25  }
0x11: {  	v0 =	vlaneseq.u32;
	v1 =	vimm.f32 $0.0e+00;
	[dreg:$0xb] =	wrdreg s26;
	s19 =	simm.s32 $0x18600;
	s21 =	simm.s32 $0x80  }
0x12: {  	v2 =	vimm.s32 $0x42;
	v3 =	vimm.s32 $0x41;
	v4 =	vimm.s32 $0x0;
	s22 =	simm.s32 $0x400;
	s23 =	simm.s32 $0x100;
	s24 =	simm.s32 $0x200  }
0x13: {  	v5 =	vimm.f32 $1.000000000e+00;
	v6 =	vor.u32 $0x100, v0;
	v7 =	vor.u32 $0x200, v0;
	s25 =	simm.s32 $0x300;
	s26 =	simm.s32 $0x8300;
	s3 =	simm.s32 $0x5  }
.LBB2_1:
0x14: {  	s11 =	rddreg [dreg:$0x1]  }
0x15: {  	[tilespmem:s19], [sflag:$0x7] =	stream.linear.gather [hbm4b:s11+s4], $0x80, $0x38;
	[tilespmem:$0x18680] =	vst v63  }
0x16: {  	_ =	swait.ge [sflag:s20], $0x80  }
0x17: {  	[sflag:s20] =	ssyncset.done $0x0  }
0x18: {  	v8 =	vmov s4;
	[sflag:s20] =	ssyncadd.s32 $0xFFFFFF80  }
0x19: {  	v8 =	vshll.u32 v8, $0x1;
	[tilespmem:s4], [sflag:$0x1] =	stream.strided.gather [hbm4b:s7+s21], $0x100, s22, s21, $0x38;
	[tilespmem:$0x18680] =	vst v63  }
0x1a: {  	v9 =	vor.u32 s4, v0;
	v8 =	vand.u32 $0x7F80, v8;
	s15 =	rddreg [dreg:$0x4]  }
0x1b: {  	v9 =	vand.u32 $0x3F, v9;
	[tilespmem:s23], [sflag:$0x2] =	stream.strided.gather [hbm4b:s15+s21], $0x100, s22, s21, $0x38;
	[tilespmem:$0x18680] =	vst v63  }
0x1c: {  	s11 =	simm.s32 $0x10;
	s16 =	rddreg [dreg:$0x5];
	v9 =	vor.u32 v9, v8  }
0x1d: {  	v8 =	vmov v9;
	[tilespmem:s24], [sflag:$0x3] =	stream.strided.gather [hbm4b:s16+s21], $0x100, s22, s21, $0x38;
	[tilespmem:$0x18680] =	vst v63  }
.LBB2_2:
0x1e: {  	p0 =	sne.s32 s11, $0x3FF0  }
.Ltmp0:
0x1f: {  	v10 =	vmov s11;
	(pc) =	sbr.rel @p0 .LBB2_2-.Ltmp0, $4  }
0x20: {  	v11 =	vor.u32 s11, v0;
	v10 =	vshll.u32 v10, $0x1  }
0x21: {  	s11 =	sadd.s32 $0x10, s11;
	v11 =	vand.u32 $0x3F, v11;
	v10 =	vand.u32 $0x7F80, v10;
	[tilespmem:v9+s25+$0x0] =	vst.idx.msk $0xffff, v1  }
0x22: {  	v9 =	vor.u32 v11, v10;
	[tilespmem:v8+s26+$0x0] =	vst.idx.msk $0xffff, v1  }
0x23: {  	[tilespmem:v8+s28+$0x0] =	vst.idx.msk $0xffff, v1;
	v8 =	vmov v9  }
0x24: {  	_ =	sdelay $0x3  }
0x25: {  	[tilespmem:v9+s25+$0x0] =	vst.idx.msk $0xffff, v1  }
0x26: {  	[tilespmem:v8+s26+$0x0] =	vst.idx.msk $0xffff, v1  }
0x27: {  	[tilespmem:v8+s28+$0x0] =	vst.idx.msk $0xffff, v1  }
0x28: {  	_ =	swait.ge [sflag:s29], $0x100  }
0x29: {  	[sflag:s29] =	ssyncset.done $0x0  }
0x2a: {  	s11 =	simm.s32 $0x0;
	[sflag:s29] =	ssyncadd.s32 $0xFFFFFF00  }
.LBB2_4:
0x2b: {  	v8 =	vor.u32 s11, v0;
	_ =	sdelay $0x3  }
0x2c: {  	v10 =	vld.idx.msk [tilespmem:v2+s19+$0x0], $0xffff  }
0x2d: {  	v9 =	vld.idx.msk [tilespmem:v8+s4+$0x0], $0xffff;
	_ =	sdelay $0x1  }
0x2e: {  	v11 =	vld.idx.msk [tilespmem:v3+s19+$0x0], $0xffff;
	_ =	sdelay $0x2  }
0x2f: {  	v10 =	vsub.f32 v9, v10;
	_ =	sdelay $0x1  }
0x30: {  	v10 =	vmul.f32 v11, v10;
	_ =	sdelay $0x1  }
0x31: {  	v10 =	vmax.f32 v10, $0.0e+00  }
0x32: {  	v10 =	vtrunc.f32 v10  }
0x33: {  	v10 =	vcvt.f32.s32 v10;
	_ =	sdelay $0x1  }
0x34: {  	vm0 =	vlt.s32 v10, $0x3F  }
0x35: {  	v58 =	vnsel vm0, $0x3F, v10;
	_ =	sdelay $0x4  }
0x36: {  	v12 =	vld.idx.msk [tilespmem:v58+s19+$0x0], $0xffff;
	_ =	sdelay $0x4  }
0x37: {  	vm1 =	vgt.s32 v10, $0x0;
	vm13 =	vle.f32 v9, v12  }
0x38: {  	vm0 =	vmand vm13, vm1  }
0x39: {  	v59 =	vsel vm0, $0xFFFFFFFF, v4  }
0x3a: {  	v10 =	vadd.s32 v59, v58  }
0x3b: {  	v11 =	vadd.s32 $0x1, v10;
	_ =	sdelay $0x4  }
0x3c: {  	v60 =	vld.idx.msk [tilespmem:v11+s19+$0x0], $0xffff;
	_ =	sdelay $0x4  }
0x3d: {  	vm15 =	vlt.s32 v10, $0x3F;
	vm14 =	vgt.f32 v9, v60  }
0x3e: {  	vm0 =	vmand vm14, vm15  }
0x3f: {  	v61 =	vsel vm0, v11, v10  }
0x40: {  	v62 =	vshll.u32 v8, $0x7;
	v10 =	vand.u32 $0xFFFFFF80, v61  }
0x41: {  	v63 =	vand.u32 $0x7F, v61;
	v10 =	vadd.s32 v62, v10  }
0x42: {  	p0 =	sne.s32 s11, $0xF0;
	v10 =	vor.u32 v63, v10  }
.Ltmp1:
0x43: {  	_ = 	snop;
	(pc) =	sbr.rel @p0 .LBB2_4-.Ltmp1, $3  }
0x44: {  	_ =	sdelay $0x1  }
0x45: {  	[tilespmem:v8+s30+$0x0] =	vst.idx.msk $0xffff, v61  }
0x46: {  	s11 =	sadd.s32 $0x10, s11;
	[tilespmem:v10+s25+$0x0] =	vst.idx.msk $0xffff, v5  }
0x47: {  	s11 =	simm.s32 $0x0  }
0x48: {  	[hbm4b:s10+s11] =	stream.linear.scatter [tilespmem:s25], [sflag:$0x4], $0x8000, $0x38;
	[tilespmem:$0x18680] =	vst v63  }
0x49: {  	s12 =	rddreg [dreg:$0x6]  }
0x4a: {  	[tilespmem:s11], [sflag:$0x1] =	stream.strided.gather [hbm4b:s12+s21], $0x100, s22, s21, $0x38;
	[tilespmem:$0x18680] =	vst v63  }
0x4b: {  	_ =	swait.ge [sflag:s31], $0x100  }
0x4c: {  	[sflag:s31] =	ssyncset.done $0x0  }
0x4d: {  	[sflag:s31] =	ssyncadd.s32 $0xFFFFFF00  }
.LBB2_6:
0x4e: {  	v8 =	vor.u32 s11, v0;
	_ =	sdelay $0x3  }
0x4f: {  	v10 =	vld.idx.msk [tilespmem:v2+s19+$0x0], $0xffff  }
0x50: {  	v9 =	vld.idx.msk [tilespmem:v8+s23+$0x0], $0xffff;
	_ =	sdelay $0x1  }
0x51: {  	v11 =	vld.idx.msk [tilespmem:v3+s19+$0x0], $0xffff;
	_ =	sdelay $0x2  }
0x52: {  	v10 =	vsub.f32 v9, v10;
	_ =	sdelay $0x1  }
0x53: {  	v10 =	vmul.f32 v11, v10;
	_ =	sdelay $0x1  }
0x54: {  	v10 =	vmax.f32 v10, $0.0e+00  }
0x55: {  	v10 =	vtrunc.f32 v10  }
0x56: {  	v10 =	vcvt.f32.s32 v10;
	_ =	sdelay $0x1  }
0x57: {  	vm0 =	vlt.s32 v10, $0x3F  }
0x58: {  	v58 =	vnsel vm0, $0x3F, v10;
	_ =	sdelay $0x4  }
0x59: {  	v12 =	vld.idx.msk [tilespmem:v58+s19+$0x0], $0xffff;
	_ =	sdelay $0x4  }
0x5a: {  	vm1 =	vgt.s32 v10, $0x0;
	vm13 =	vle.f32 v9, v12  }
0x5b: {  	vm0 =	vmand vm13, vm1  }
0x5c: {  	v59 =	vsel vm0, $0xFFFFFFFF, v4  }
0x5d: {  	v10 =	vadd.s32 v59, v58  }
0x5e: {  	v11 =	vadd.s32 $0x1, v10;
	_ =	sdelay $0x4  }
0x5f: {  	v60 =	vld.idx.msk [tilespmem:v11+s19+$0x0], $0xffff;
	_ =	sdelay $0x4  }
0x60: {  	vm15 =	vlt.s32 v10, $0x3F;
	vm14 =	vgt.f32 v9, v60  }
0x61: {  	vm0 =	vmand vm14, vm15  }
0x62: {  	v61 =	vsel vm0, v11, v10  }
0x63: {  	v8 =	vshll.u32 v8, $0x7;
	v10 =	vand.u32 $0xFFFFFF80, v61  }
0x64: {  	v62 =	vor.u32 s11, v6;
	v63 =	vand.u32 $0x7F, v61;
	v8 =	vadd.s32 v8, v10  }
0x65: {  	p0 =	sne.s32 s11, $0xF0;
	v8 =	vor.u32 v63, v8  }
.Ltmp2:
0x66: {  	_ = 	snop;
	(pc) =	sbr.rel @p0 .LBB2_6-.Ltmp2, $3  }
0x67: {  	_ =	sdelay $0x1  }
0x68: {  	[tilespmem:v62+s30+$0x0] =	vst.idx.msk $0xffff, v61  }
0x69: {  	s11 =	sadd.s32 $0x10, s11;
	[tilespmem:v8+s26+$0x0] =	vst.idx.msk $0xffff, v5  }
0x6a: {  	s11 =	simm.s32 $0x0;
	s12 =	rddreg [dreg:$0x7]  }
0x6b: {  	[hbm4b:s12+s11] =	stream.linear.scatter [tilespmem:s26], [sflag:$0x5], $0x8000, $0x38;
	[tilespmem:$0x18680] =	vst v63  }
0x6c: {  	s16 =	rddreg [dreg:$0x8]  }
0x6d: {  	[tilespmem:s23], [sflag:$0x2] =	stream.strided.gather [hbm4b:s16+s21], $0x100, s22, s21, $0x38;
	[tilespmem:$0x18680] =	vst v63  }
0x6e: {  	_ =	swait.ge [sflag:s0], $0x100  }
0x6f: {  	[sflag:s0] =	ssyncset.done $0x0  }
0x70: {  	[sflag:s0] =	ssyncadd.s32 $0xFFFFFF00  }
.LBB2_8:
0x71: {  	v8 =	vor.u32 s11, v0;
	_ =	sdelay $0x3  }
0x72: {  	v10 =	vld.idx.msk [tilespmem:v2+s19+$0x0], $0xffff  }
0x73: {  	v9 =	vld.idx.msk [tilespmem:v8+s24+$0x0], $0xffff;
	_ =	sdelay $0x1  }
0x74: {  	v11 =	vld.idx.msk [tilespmem:v3+s19+$0x0], $0xffff;
	_ =	sdelay $0x2  }
0x75: {  	v10 =	vsub.f32 v9, v10;
	_ =	sdelay $0x1  }
0x76: {  	v10 =	vmul.f32 v11, v10;
	_ =	sdelay $0x1  }
0x77: {  	v10 =	vmax.f32 v10, $0.0e+00  }
0x78: {  	v10 =	vtrunc.f32 v10  }
0x79: {  	v10 =	vcvt.f32.s32 v10;
	_ =	sdelay $0x1  }
0x7a: {  	vm0 =	vlt.s32 v10, $0x3F  }
0x7b: {  	v58 =	vnsel vm0, $0x3F, v10;
	_ =	sdelay $0x4  }
0x7c: {  	v12 =	vld.idx.msk [tilespmem:v58+s19+$0x0], $0xffff;
	_ =	sdelay $0x4  }
0x7d: {  	vm1 =	vgt.s32 v10, $0x0;
	vm13 =	vle.f32 v9, v12  }
0x7e: {  	vm0 =	vmand vm13, vm1  }
0x7f: {  	v59 =	vsel vm0, $0xFFFFFFFF, v4  }
0x80: {  	v10 =	vadd.s32 v59, v58  }
0x81: {  	v11 =	vadd.s32 $0x1, v10;
	_ =	sdelay $0x4  }
0x82: {  	v60 =	vld.idx.msk [tilespmem:v11+s19+$0x0], $0xffff;
	_ =	sdelay $0x4  }
0x83: {  	vm15 =	vlt.s32 v10, $0x3F;
	vm14 =	vgt.f32 v9, v60  }
0x84: {  	vm0 =	vmand vm14, vm15  }
0x85: {  	v61 =	vsel vm0, v11, v10  }
0x86: {  	v8 =	vshll.u32 v8, $0x7;
	v10 =	vand.u32 $0xFFFFFF80, v61  }
0x87: {  	v62 =	vor.u32 s11, v7;
	v63 =	vand.u32 $0x7F, v61;
	v8 =	vadd.s32 v8, v10  }
0x88: {  	p0 =	sne.s32 s11, $0xF0;
	v8 =	vor.u32 v63, v8  }
.Ltmp3:
0x89: {  	_ = 	snop;
	(pc) =	sbr.rel @p0 .LBB2_8-.Ltmp3, $3  }
0x8a: {  	_ =	sdelay $0x1  }
0x8b: {  	[tilespmem:v62+s30+$0x0] =	vst.idx.msk $0xffff, v61  }
0x8c: {  	s11 =	sadd.s32 $0x10, s11;
	[tilespmem:v8+s28+$0x0] =	vst.idx.msk $0xffff, v5  }
0x8d: {  	s11 =	rddreg [dreg:$0x9]  }
0x8e: {  	[hbm4b:s11+s4] =	stream.linear.scatter [tilespmem:s28], [sflag:$0x6], $0x8000, $0x38;
	[tilespmem:$0x18680] =	vst v63  }
0x8f: {  	s16 =	rddreg [dreg:$0xa];
	s11 =	simm.s32 $0x1  }
0x90: {  	[tilespmem:s24], [sflag:$0x3] =	stream.strided.gather [hbm4b:s16+s21], $0x100, s22, s21, $0x38;
	[tilespmem:$0x18680] =	vst v63  }
.LBB2_10:
0x91: {  	s12 =	smul.u32 $0x3, s11;
	_ =	sdelay $0x1  }
0x92: {  	s14 =	smul.u32 $0x18000, s11;
	_ =	swait.ge [sflag:s2], $0x8000;
	s13 =	sshrl.u32 s12, $0x2  }
0x93: {  	[sflag:s2] =	ssyncset.done $0x0;
	s13 =	sadd.s32 s5, s13  }
0x94: {  	s14 =	sand.u32 $0x18000, s14;
	[sflag:s2] =	ssyncadd.s32 $0xFFFF8000;
	s13 =	sshll.u32 s13, $0x11  }
0x95: {  	_ =	swait.ge [sflag:s29], $0x100;
	s13 =	sor.u32 s14, s13  }
0x96: {  	[sflag:s29] =	ssyncset.done $0x0;
	s13 =	sshrl.u32 s13, $0x3  }
0x97: {  	[sflag:s29] =	ssyncadd.s32 $0xFFFFFF00;
	s14 =	sadd.s32 s6, s13;
	s13 =	simm.s32 $0x0  }
.LBB2_11:
0x98: {  	v8 =	vor.u32 s13, v0;
	_ =	sdelay $0x4  }
0x99: {  	v9 =	vld.idx.msk [tilespmem:v8+s30+$0x0], $0xffff;
	_ =	sdelay $0x4  }
0x9a: {  	v11 =	vshll.u32 v8, $0x7;
	v10 =	vand.u32 $0xFFFFFF80, v9  }
0x9b: {  	v9 =	vand.u32 $0x7F, v9;
	v10 =	vadd.s32 v11, v10  }
0x9c: {  	v9 =	vor.u32 v9, v10;
	_ =	sdelay $0x4  }
0x9d: {  	[tilespmem:v9+s25+$0x0] =	vst.idx.msk $0xffff, v1  }
0x9e: {  	v9 =	vld.idx.msk [tilespmem:v8+s4+$0x0], $0xffff  }
0x9f: {  	v59 =	vld.idx.msk [tilespmem:v2+s19+$0x0], $0xffff;
	_ =	sdelay $0x1  }
0xa0: {  	v12 =	vld.idx.msk [tilespmem:v3+s19+$0x0], $0xffff;
	_ =	sdelay $0x2  }
0xa1: {  	v10 =	vsub.f32 v9, v59;
	_ =	sdelay $0x1  }
0xa2: {  	v10 =	vmul.f32 v12, v10;
	_ =	sdelay $0x1  }
0xa3: {  	v10 =	vmax.f32 v10, $0.0e+00  }
0xa4: {  	v10 =	vtrunc.f32 v10  }
0xa5: {  	v10 =	vcvt.f32.s32 v10;
	_ =	sdelay $0x1  }
0xa6: {  	vm0 =	vlt.s32 v10, $0x3F  }
0xa7: {  	v60 =	vnsel vm0, $0x3F, v10;
	_ =	sdelay $0x4  }
0xa8: {  	v13 =	vld.idx.msk [tilespmem:v60+s19+$0x0], $0xffff;
	_ =	sdelay $0x4  }
0xa9: {  	vm1 =	vgt.s32 v10, $0x0;
	vm13 =	vle.f32 v9, v13  }
0xaa: {  	vm0 =	vmand vm13, vm1  }
0xab: {  	v61 =	vsel vm0, $0xFFFFFFFF, v4  }
0xac: {  	v10 =	vadd.s32 v61, v60  }
0xad: {  	v12 =	vadd.s32 $0x1, v10;
	_ =	sdelay $0x4  }
0xae: {  	v62 =	vld.idx.msk [tilespmem:v12+s19+$0x0], $0xffff;
	_ =	sdelay $0x4  }
0xaf: {  	vm15 =	vlt.s32 v10, $0x3F;
	vm14 =	vgt.f32 v9, v62  }
0xb0: {  	vm0 =	vmand vm14, vm15  }
0xb1: {  	v63 =	vsel vm0, v12, v10  }
0xb2: {  	v10 =	vand.u32 $0xFFFFFF80, v63  }
0xb3: {  	v12 =	vand.u32 $0x7F, v63;
	v10 =	vadd.s32 v11, v10  }
0xb4: {  	p0 =	sne.s32 s13, $0xF0;
	v10 =	vor.u32 v12, v10  }
.Ltmp4:
0xb5: {  	_ = 	snop;
	(pc) =	sbr.rel @p0 .LBB2_11-.Ltmp4, $3  }
0xb6: {  	_ =	sdelay $0x1  }
0xb7: {  	[tilespmem:v8+s30+$0x0] =	vst.idx.msk $0xffff, v63  }
0xb8: {  	s13 =	sadd.s32 $0x10, s13;
	[tilespmem:v10+s25+$0x0] =	vst.idx.msk $0xffff, v5  }
0xb9: {  	s13 =	simm.s32 $0x0  }
0xba: {  	[hbm4b:s14+s13] =	stream.linear.scatter [tilespmem:s25], [sflag:$0x4], $0x8000, $0x38;
	[tilespmem:$0x18680] =	vst v63  }
0xbb: {  	s14 =	sadd.s32 $0x3, s12  }
0xbc: {  	s15 =	sshrl.u32 s14, $0x2  }
0xbd: {  	s15 =	sadd.s32 s5, s15  }
0xbe: {  	s16 =	sshll.u32 s14, $0x8;
	s14 =	sshll.u32 s14, $0x2;
	s15 =	sshll.u32 s15, $0x7  }
0xbf: {  	s16 =	sand.u32 $0x300, s16;
	s14 =	sand.u32 $0x70, s14;
	s15 =	sand.u32 $0xFFFFC00, s15  }
0xc0: {  	s14 =	sadd.s32 s1, s14;
	s15 =	sor.u32 s15, s16  }
0xc1: {  	s14 =	sadd.s32 s15, s14  }
0xc2: {  	[tilespmem:s13], [sflag:$0x1] =	stream.strided.gather [hbm4b:s14+s21], $0x100, s22, s21, $0x38;
	[tilespmem:$0x18680] =	vst v63  }
0xc3: {  	_ =	swait.ge [sflag:s3], $0x8000  }
0xc4: {  	s15 =	sadd.s32 $0x1, s12;
	[sflag:s3] =	ssyncset.done $0x0  }
0xc5: {  	s16 =	sshrl.u32 s15, $0x2;
	s14 =	sshll.u32 s15, $0xC;
	[sflag:s3] =	ssyncadd.s32 $0xFFFF8000  }
0xc6: {  	s15 =	sadd.s32 s5, s16;
	s14 =	sand.u32 $0x3000, s14;
	_ =	swait.ge [sflag:s31], $0x100  }
0xc7: {  	s15 =	sshll.u32 s15, $0xE;
	s14 =	sadd.s32 s6, s14;
	[sflag:s31] =	ssyncset.done $0x0  }
0xc8: {  	s14 =	sadd.s32 s15, s14;
	[sflag:s31] =	ssyncadd.s32 $0xFFFFFF00  }
.LBB2_13:
0xc9: {  	v8 =	vor.u32 s13, v6;
	_ =	sdelay $0x4  }
0xca: {  	v9 =	vld.idx.msk [tilespmem:v8+s30+$0x0], $0xffff;
	_ =	sdelay $0x3  }
0xcb: {  	v10 =	vor.u32 s13, v0  }
0xcc: {  	v12 =	vshll.u32 v10, $0x7;
	v11 =	vand.u32 $0xFFFFFF80, v9  }
0xcd: {  	v9 =	vand.u32 $0x7F, v9;
	v11 =	vadd.s32 v12, v11  }
0xce: {  	v9 =	vor.u32 v9, v11;
	_ =	sdelay $0x4  }
0xcf: {  	[tilespmem:v9+s26+$0x0] =	vst.idx.msk $0xffff, v1  }
0xd0: {  	v9 =	vld.idx.msk [tilespmem:v10+s23+$0x0], $0xffff  }
0xd1: {  	v58 =	vld.idx.msk [tilespmem:v2+s19+$0x0], $0xffff;
	_ =	sdelay $0x1  }
0xd2: {  	v59 =	vld.idx.msk [tilespmem:v3+s19+$0x0], $0xffff;
	_ =	sdelay $0x2  }
0xd3: {  	v10 =	vsub.f32 v9, v58;
	_ =	sdelay $0x1  }
0xd4: {  	v10 =	vmul.f32 v59, v10;
	_ =	sdelay $0x1  }
0xd5: {  	v10 =	vmax.f32 v10, $0.0e+00  }
0xd6: {  	v10 =	vtrunc.f32 v10  }
0xd7: {  	v10 =	vcvt.f32.s32 v10;
	_ =	sdelay $0x1  }
0xd8: {  	vm0 =	vlt.s32 v10, $0x3F  }
0xd9: {  	v60 =	vnsel vm0, $0x3F, v10;
	_ =	sdelay $0x4  }
0xda: {  	v13 =	vld.idx.msk [tilespmem:v60+s19+$0x0], $0xffff;
	_ =	sdelay $0x4  }
0xdb: {  	vm1 =	vgt.s32 v10, $0x0;
	vm13 =	vle.f32 v9, v13  }
0xdc: {  	vm0 =	vmand vm13, vm1  }
0xdd: {  	v61 =	vsel vm0, $0xFFFFFFFF, v4  }
0xde: {  	v10 =	vadd.s32 v61, v60  }
0xdf: {  	v11 =	vadd.s32 $0x1, v10;
	_ =	sdelay $0x4  }
0xe0: {  	v62 =	vld.idx.msk [tilespmem:v11+s19+$0x0], $0xffff;
	_ =	sdelay $0x4  }
0xe1: {  	vm15 =	vlt.s32 v10, $0x3F;
	vm14 =	vgt.f32 v9, v62  }
0xe2: {  	vm0 =	vmand vm14, vm15  }
0xe3: {  	v63 =	vsel vm0, v11, v10  }
0xe4: {  	v10 =	vand.u32 $0xFFFFFF80, v63  }
0xe5: {  	v11 =	vand.u32 $0x7F, v63;
	v10 =	vadd.s32 v12, v10  }
0xe6: {  	p0 =	sne.s32 s13, $0xF0;
	v10 =	vor.u32 v11, v10  }
.Ltmp5:
0xe7: {  	_ = 	snop;
	(pc) =	sbr.rel @p0 .LBB2_13-.Ltmp5, $3  }
0xe8: {  	_ =	sdelay $0x1  }
0xe9: {  	[tilespmem:v8+s30+$0x0] =	vst.idx.msk $0xffff, v63  }
0xea: {  	s13 =	sadd.s32 $0x10, s13;
	[tilespmem:v10+s26+$0x0] =	vst.idx.msk $0xffff, v5  }
0xeb: {  	s13 =	simm.s32 $0x0  }
0xec: {  	[hbm4b:s14+s13] =	stream.linear.scatter [tilespmem:s26], [sflag:$0x5], $0x8000, $0x38;
	[tilespmem:$0x18680] =	vst v63  }
0xed: {  	s14 =	sadd.s32 $0x4, s12  }
0xee: {  	s15 =	sshrl.u32 s14, $0x2  }
0xef: {  	s15 =	sadd.s32 s5, s15  }
0xf0: {  	s16 =	sshll.u32 s14, $0x8;
	s14 =	sshll.u32 s14, $0x2;
	s15 =	sshll.u32 s15, $0x7  }
0xf1: {  	s16 =	sand.u32 $0x300, s16;
	s14 =	sand.u32 $0x70, s14;
	s15 =	sand.u32 $0xFFFFC00, s15  }
0xf2: {  	s14 =	sadd.s32 s1, s14;
	s15 =	sor.u32 s15, s16  }
0xf3: {  	s14 =	sadd.s32 s15, s14  }
0xf4: {  	[tilespmem:s23], [sflag:$0x2] =	stream.strided.gather [hbm4b:s14+s21], $0x100, s22, s21, $0x38;
	[tilespmem:$0x18680] =	vst v63  }
0xf5: {  	_ =	swait.ge [sflag:s8], $0x8000  }
0xf6: {  	s15 =	sadd.s32 $0x2, s12;
	[sflag:s8] =	ssyncset.done $0x0  }
0xf7: {  	s16 =	sshrl.u32 s15, $0x2;
	s14 =	sshll.u32 s15, $0xC;
	[sflag:s8] =	ssyncadd.s32 $0xFFFF8000  }
0xf8: {  	s15 =	sadd.s32 s5, s16;
	s14 =	sand.u32 $0x3000, s14;
	_ =	swait.ge [sflag:s0], $0x100  }
0xf9: {  	s15 =	sshll.u32 s15, $0xE;
	s14 =	sadd.s32 s6, s14;
	[sflag:s0] =	ssyncset.done $0x0  }
0xfa: {  	s14 =	sadd.s32 s15, s14;
	[sflag:s0] =	ssyncadd.s32 $0xFFFFFF00  }
.LBB2_15:
0xfb: {  	v8 =	vor.u32 s13, v7;
	_ =	sdelay $0x4  }
0xfc: {  	v9 =	vld.idx.msk [tilespmem:v8+s30+$0x0], $0xffff;
	_ =	sdelay $0x3  }
0xfd: {  	v10 =	vor.u32 s13, v0  }
0xfe: {  	v12 =	vshll.u32 v10, $0x7;
	v11 =	vand.u32 $0xFFFFFF80, v9  }
0xff: {  	v9 =	vand.u32 $0x7F, v9;
	v11 =	vadd.s32 v12, v11  }
0x100: {  	v9 =	vor.u32 v9, v11;
	_ =	sdelay $0x4  }
0x101: {  	[tilespmem:v9+s28+$0x0] =	vst.idx.msk $0xffff, v1  }
0x102: {  	v9 =	vld.idx.msk [tilespmem:v10+s24+$0x0], $0xffff  }
0x103: {  	v58 =	vld.idx.msk [tilespmem:v2+s19+$0x0], $0xffff;
	_ =	sdelay $0x1  }
0x104: {  	v59 =	vld.idx.msk [tilespmem:v3+s19+$0x0], $0xffff;
	_ =	sdelay $0x2  }
0x105: {  	v10 =	vsub.f32 v9, v58;
	_ =	sdelay $0x1  }
0x106: {  	v10 =	vmul.f32 v59, v10;
	_ =	sdelay $0x1  }
0x107: {  	v10 =	vmax.f32 v10, $0.0e+00  }
0x108: {  	v10 =	vtrunc.f32 v10  }
0x109: {  	v10 =	vcvt.f32.s32 v10;
	_ =	sdelay $0x1  }
0x10a: {  	vm0 =	vlt.s32 v10, $0x3F  }
0x10b: {  	v60 =	vnsel vm0, $0x3F, v10;
	_ =	sdelay $0x4  }
0x10c: {  	v13 =	vld.idx.msk [tilespmem:v60+s19+$0x0], $0xffff;
	_ =	sdelay $0x4  }
0x10d: {  	vm1 =	vgt.s32 v10, $0x0;
	vm13 =	vle.f32 v9, v13  }
0x10e: {  	vm0 =	vmand vm13, vm1  }
0x10f: {  	v61 =	vsel vm0, $0xFFFFFFFF, v4  }
0x110: {  	v10 =	vadd.s32 v61, v60  }
0x111: {  	v11 =	vadd.s32 $0x1, v10;
	_ =	sdelay $0x4  }
0x112: {  	v62 =	vld.idx.msk [tilespmem:v11+s19+$0x0], $0xffff;
	_ =	sdelay $0x4  }
0x113: {  	vm15 =	vlt.s32 v10, $0x3F;
	vm14 =	vgt.f32 v9, v62  }
0x114: {  	vm0 =	vmand vm14, vm15  }
0x115: {  	v63 =	vsel vm0, v11, v10  }
0x116: {  	v10 =	vand.u32 $0xFFFFFF80, v63  }
0x117: {  	v11 =	vand.u32 $0x7F, v63;
	v10 =	vadd.s32 v12, v10  }
0x118: {  	p0 =	sne.s32 s13, $0xF0;
	v10 =	vor.u32 v11, v10  }
.Ltmp6:
0x119: {  	_ = 	snop;
	(pc) =	sbr.rel @p0 .LBB2_15-.Ltmp6, $3  }
0x11a: {  	_ =	sdelay $0x1  }
0x11b: {  	[tilespmem:v8+s30+$0x0] =	vst.idx.msk $0xffff, v63  }
0x11c: {  	s13 =	sadd.s32 $0x10, s13;
	[tilespmem:v10+s28+$0x0] =	vst.idx.msk $0xffff, v5  }
0x11d: {  	[hbm4b:s14+s4] =	stream.linear.scatter [tilespmem:s28], [sflag:$0x6], $0x8000, $0x38;
	[tilespmem:$0x18680] =	vst v63  }
0x11e: {  	s12 =	smin.u32 s12, $0x7A  }
0x11f: {  	s12 =	sadd.s32 $0x5, s12  }
0x120: {  	s11 =	sadd.s32 $0x1, s11;
	s13 =	sshrl.u32 s12, $0x2  }
0x121: {  	p0 =	sne.s32 s11, $0x2A;
	s16 =	sshll.u32 s12, $0x8;
	s13 =	sadd.s32 s5, s13  }
.Ltmp7:
0x122: {  	s12 =	sshll.u32 s12, $0x2;
	s13 =	sshll.u32 s13, $0x7;
	(pc) =	sbr.rel @p0 .LBB2_10-.Ltmp7, $4  }
0x123: {  	s14 =	sand.u32 $0x300, s16;
	s12 =	sand.u32 $0x70, s12;
	s13 =	sand.u32 $0x3FC00, s13  }
0x124: {  	s12 =	sadd.s32 s1, s12;
	s13 =	sor.u32 s13, s14  }
0x125: {  	s12 =	sadd.s32 s13, s12  }
0x126: {  	[tilespmem:s24], [sflag:$0x3] =	stream.strided.gather [hbm4b:s12+s21], $0x100, s22, s21, $0x38;
	[tilespmem:$0x18680] =	vst v63  }
0x127: {  	_ =	swait.ge [sflag:s2], $0x8000  }
0x128: {  	[sflag:s2] =	ssyncset.done $0x0  }
0x129: {  	[sflag:s2] =	ssyncadd.s32 $0xFFFF8000  }
0x12a: {  	_ =	swait.ge [sflag:s29], $0x100  }
0x12b: {  	[sflag:s29] =	ssyncset.done $0x0  }
0x12c: {  	s11 =	simm.s32 $0x0;
	[sflag:s29] =	ssyncadd.s32 $0xFFFFFF00  }
.LBB2_18:
0x12d: {  	v8 =	vor.u32 s11, v0;
	_ =	sdelay $0x4  }
0x12e: {  	v9 =	vld.idx.msk [tilespmem:v8+s30+$0x0], $0xffff;
	_ =	sdelay $0x4  }
0x12f: {  	v11 =	vshll.u32 v8, $0x7;
	v10 =	vand.u32 $0xFFFFFF80, v9  }
0x130: {  	v9 =	vand.u32 $0x7F, v9;
	v10 =	vadd.s32 v11, v10  }
0x131: {  	v9 =	vor.u32 v9, v10;
	_ =	sdelay $0x4  }
0x132: {  	[tilespmem:v9+s25+$0x0] =	vst.idx.msk $0xffff, v1  }
0x133: {  	v9 =	vld.idx.msk [tilespmem:v8+s4+$0x0], $0xffff  }
0x134: {  	v59 =	vld.idx.msk [tilespmem:v2+s19+$0x0], $0xffff;
	_ =	sdelay $0x1  }
0x135: {  	v12 =	vld.idx.msk [tilespmem:v3+s19+$0x0], $0xffff;
	_ =	sdelay $0x2  }
0x136: {  	v10 =	vsub.f32 v9, v59;
	_ =	sdelay $0x1  }
0x137: {  	v10 =	vmul.f32 v12, v10;
	_ =	sdelay $0x1  }
0x138: {  	v10 =	vmax.f32 v10, $0.0e+00  }
0x139: {  	v10 =	vtrunc.f32 v10  }
0x13a: {  	v10 =	vcvt.f32.s32 v10;
	_ =	sdelay $0x1  }
0x13b: {  	vm0 =	vlt.s32 v10, $0x3F  }
0x13c: {  	v60 =	vnsel vm0, $0x3F, v10;
	_ =	sdelay $0x4  }
0x13d: {  	v13 =	vld.idx.msk [tilespmem:v60+s19+$0x0], $0xffff;
	_ =	sdelay $0x4  }
0x13e: {  	vm1 =	vgt.s32 v10, $0x0;
	vm13 =	vle.f32 v9, v13  }
0x13f: {  	vm0 =	vmand vm13, vm1  }
0x140: {  	v61 =	vsel vm0, $0xFFFFFFFF, v4  }
0x141: {  	v10 =	vadd.s32 v61, v60  }
0x142: {  	v12 =	vadd.s32 $0x1, v10;
	_ =	sdelay $0x4  }
0x143: {  	v62 =	vld.idx.msk [tilespmem:v12+s19+$0x0], $0xffff;
	_ =	sdelay $0x4  }
0x144: {  	vm15 =	vlt.s32 v10, $0x3F;
	vm14 =	vgt.f32 v9, v62  }
0x145: {  	vm0 =	vmand vm14, vm15  }
0x146: {  	v63 =	vsel vm0, v12, v10  }
0x147: {  	v10 =	vand.u32 $0xFFFFFF80, v63  }
0x148: {  	v12 =	vand.u32 $0x7F, v63;
	v10 =	vadd.s32 v11, v10  }
0x149: {  	p0 =	sne.s32 s11, $0xF0;
	v10 =	vor.u32 v12, v10  }
.Ltmp8:
0x14a: {  	_ = 	snop;
	(pc) =	sbr.rel @p0 .LBB2_18-.Ltmp8, $3  }
0x14b: {  	_ =	sdelay $0x1  }
0x14c: {  	[tilespmem:v8+s30+$0x0] =	vst.idx.msk $0xffff, v63  }
0x14d: {  	s11 =	sadd.s32 $0x10, s11;
	[tilespmem:v10+s25+$0x0] =	vst.idx.msk $0xffff, v5  }
0x14e: {  	s11 =	simm.s32 $0x0;
	s12 =	rddreg [dreg:$0xb]  }
0x14f: {  	[hbm4b:s12+s11] =	stream.linear.scatter [tilespmem:s25], [sflag:$0x4], $0x8000, $0x38;
	[tilespmem:$0x18680] =	vst v63  }
0x150: {  	_ =	swait.ge [sflag:s3], $0x8000  }
0x151: {  	[sflag:s3] =	ssyncset.done $0x0  }
0x152: {  	[sflag:s3] =	ssyncadd.s32 $0xFFFF8000  }
0x153: {  	_ =	swait.ge [sflag:s31], $0x100  }
0x154: {  	[sflag:s31] =	ssyncset.done $0x0  }
0x155: {  	[sflag:s31] =	ssyncadd.s32 $0xFFFFFF00  }
.LBB2_20:
0x156: {  	v8 =	vor.u32 s11, v6;
	_ =	sdelay $0x4  }
0x157: {  	v9 =	vld.idx.msk [tilespmem:v8+s30+$0x0], $0xffff;
	_ =	sdelay $0x3  }
0x158: {  	v10 =	vor.u32 s11, v0  }
0x159: {  	v12 =	vshll.u32 v10, $0x7;
	v11 =	vand.u32 $0xFFFFFF80, v9  }
0x15a: {  	v9 =	vand.u32 $0x7F, v9;
	v11 =	vadd.s32 v12, v11  }
0x15b: {  	v9 =	vor.u32 v9, v11;
	_ =	sdelay $0x4  }
0x15c: {  	[tilespmem:v9+s26+$0x0] =	vst.idx.msk $0xffff, v1  }
0x15d: {  	v9 =	vld.idx.msk [tilespmem:v10+s23+$0x0], $0xffff  }
0x15e: {  	v58 =	vld.idx.msk [tilespmem:v2+s19+$0x0], $0xffff;
	_ =	sdelay $0x1  }
0x15f: {  	v59 =	vld.idx.msk [tilespmem:v3+s19+$0x0], $0xffff;
	_ =	sdelay $0x2  }
0x160: {  	v10 =	vsub.f32 v9, v58;
	_ =	sdelay $0x1  }
0x161: {  	v10 =	vmul.f32 v59, v10;
	_ =	sdelay $0x1  }
0x162: {  	v10 =	vmax.f32 v10, $0.0e+00  }
0x163: {  	v10 =	vtrunc.f32 v10  }
0x164: {  	v10 =	vcvt.f32.s32 v10;
	_ =	sdelay $0x1  }
0x165: {  	vm0 =	vlt.s32 v10, $0x3F  }
0x166: {  	v60 =	vnsel vm0, $0x3F, v10;
	_ =	sdelay $0x4  }
0x167: {  	v13 =	vld.idx.msk [tilespmem:v60+s19+$0x0], $0xffff;
	_ =	sdelay $0x4  }
0x168: {  	vm1 =	vgt.s32 v10, $0x0;
	vm13 =	vle.f32 v9, v13  }
0x169: {  	vm0 =	vmand vm13, vm1  }
0x16a: {  	v61 =	vsel vm0, $0xFFFFFFFF, v4  }
0x16b: {  	v10 =	vadd.s32 v61, v60  }
0x16c: {  	v11 =	vadd.s32 $0x1, v10;
	_ =	sdelay $0x4  }
0x16d: {  	v62 =	vld.idx.msk [tilespmem:v11+s19+$0x0], $0xffff;
	_ =	sdelay $0x4  }
0x16e: {  	vm15 =	vlt.s32 v10, $0x3F;
	vm14 =	vgt.f32 v9, v62  }
0x16f: {  	vm0 =	vmand vm14, vm15  }
0x170: {  	v63 =	vsel vm0, v11, v10  }
0x171: {  	v10 =	vand.u32 $0xFFFFFF80, v63  }
0x172: {  	v11 =	vand.u32 $0x7F, v63;
	v10 =	vadd.s32 v12, v10  }
0x173: {  	p0 =	sne.s32 s11, $0xF0;
	v10 =	vor.u32 v11, v10  }
.Ltmp9:
0x174: {  	_ = 	snop;
	(pc) =	sbr.rel @p0 .LBB2_20-.Ltmp9, $3  }
0x175: {  	_ =	sdelay $0x1  }
0x176: {  	[tilespmem:v8+s30+$0x0] =	vst.idx.msk $0xffff, v63  }
0x177: {  	s11 =	sadd.s32 $0x10, s11;
	[tilespmem:v10+s26+$0x0] =	vst.idx.msk $0xffff, v5  }
0x178: {  	[hbm4b:s17+s4] =	stream.linear.scatter [tilespmem:s26], [sflag:$0x5], $0x8000, $0x38;
	[tilespmem:$0x18680] =	vst v63  }
0x179: {  	_ =	swait.ge [sflag:s2], $0x8000  }
0x17a: {  	[sflag:s2] =	ssyncset.done $0x0  }
0x17b: {  	[sflag:s2] =	ssyncadd.s32 $0xFFFF8000  }
0x17c: {  	_ =	swait.ge [sflag:s3], $0x8000  }
0x17d: {  	[sflag:s3] =	ssyncset.done $0x0  }
0x17e: {  	s9 =	sadd.s32 $0x1, s9;
	[sflag:s3] =	ssyncadd.s32 $0xFFFF8000  }
0x17f: {  	p0 =	sne.s32 s9, s18;
	_ =	swait.ge [sflag:s8], $0x8000  }
.Ltmp10:
0x180: {  	[sflag:s8] =	ssyncset.done $0x0;
	(pc) =	sbr.rel @p0 .LBB2_1-.Ltmp10, $4  }
0x181: {  	[sflag:s8] =	ssyncadd.s32 $0xFFFF8000  }
0x182: {  	_ =	swait.ge [sflag:s0], $0x100  }
0x183: {  	[sflag:s0] =	ssyncset.done $0x0  }
0x184: {  	[sflag:s0] =	ssyncadd.s32 $0xFFFFFF00  }
0x185: {  	_ =	sfence.sel $0x180000  }
0x186: {  	[bflag:$0x0] =	sbarrier.arrive $0xFFFF  }
0x187: {  	_ =	strace $0x90000047  }
0x188: {  	s0 =	stileid.u32;
	[bflag:$0x2] =	sbarrier.arrive $0xFFFF  }
0x189: {  	p0 =	sne.s32 s0, $0x0;
	s0 =	rddreg [dreg:$0x3]  }
0x18a: {  	s0 =	sadd.s32 @!p0 $0x100000, s0  }
0x18b: {  	[sflag:s0] =	ssyncadd.tile.s32 @!p0 $0x1;
	_ =	shalt  }
.Lfunc_end2:
_tile_overlayer_lowered:
.L_overlay_start_2:
0x18c: {  	(tag) =	ssettag $0x2  }
0x18d: {  	s0 =	rddreg [dreg:$0x0];
	s2 =	stileid.u32  }
0x18e: {  	s1 =	rddreg [dreg:$0x1];
	p0 =	sne.s32 s2, $0x0  }
0x18f: {  	s3 =	rddreg [dreg:$0x2];
	[bflag:$0x3] =	sbarrier.arrive $0xFFFF;
	s2 =	simm.s32 @!p0 $0x1C07  }
0x190: {  	[timem:s3], [sflag:s2] =	dma.local @!p0 [hbm:s0], s1  }
0x191: {  	s0 =	simm.s32 @!p0 $0x7  }
0x192: {  	_ =	swait.ge @!p0 [sflag:s0], s1  }
0x193: {  	s1 =	ssub.s32 @!p0 $0x0, s1;
	[sflag:s0] =	ssyncset.done @!p0 $0x0  }
0x194: {  	[sflag:s0] =	ssyncadd.s32 @!p0 s1  }
0x195: {  	[bflag:$0x3] =	sbarrier.arrive $0xFFFF  }
0x196: {  	_ =	shalt  }

</sc_bundles>
